<compile_context>
chip_gen: v7x
topology: tpu7x:2x2x1
jax: 0.10.2.dev20260603
libtpu: 0.0.44.dev20260713+nightly
codegen_flags: <defaults>
</compile_context>

<pallas_src>
import functools

import jax
import jax.numpy as jnp
from jax import lax
from jax.experimental import pallas as pl
from jax.experimental.pallas import tpu as pltpu
from jax.experimental.pallas import tpu_sc as plsc

N_INPUT = 1000
LAYER = 1000
N_LAYERS = 10
N_NODES = N_LAYERS * LAYER
IN_DEG = 16
N_COMPUTED = N_LAYERS - 1

LANES = 16
NUM_TILES = 16
NODES_PER_TILE = 64
GROUPS = NODES_PER_TILE // LANES
LAST_BASE = LAYER - NODES_PER_TILE
SLAB = NODES_PER_TILE * IN_DEG
XCHG = 1024


def _body(src_hbm, w_hbm, in_hbm, out_hbm,
          out_buf, my_src, my_w, pub, shared, sem0, sem1):
    c = lax.axis_index("c")
    t = lax.axis_index("s")

    @pl.when(c == 0)
    def _run():
        base = jnp.where(t == NUM_TILES - 1, LAST_BASE, t * NODES_PER_TILE)
        ebase = base * IN_DEG
        early = [
            pltpu.async_copy(src_hbm.at[pl.ds(ebase, SLAB)],
                             my_src.at[pl.ds(0, SLAB)], sem0),
            pltpu.async_copy(w_hbm.at[pl.ds(ebase, SLAB)],
                             my_w.at[pl.ds(0, SLAB)], sem0),
            pltpu.async_copy(in_hbm, out_buf.at[pl.ds(0, N_INPUT)], sem0),
        ]
        late = []
        for l in range(1, N_COMPUTED):
            off = ebase + l * LAYER * IN_DEG
            late.append(pltpu.async_copy(
                src_hbm.at[pl.ds(off, SLAB)],
                my_src.at[pl.ds(l * SLAB, SLAB)], sem1))
            late.append(pltpu.async_copy(
                w_hbm.at[pl.ds(off, SLAB)],
                my_w.at[pl.ds(l * SLAB, SLAB)], sem1))
        for cp in early:
            cp.wait()

        lane16 = jax.lax.iota(jnp.int32, 16) * IN_DEG

        def compute_layer(l):
            def gbody(g):
                cbase = lane16 + (l * SLAB + g * (LANES * IN_DEG))

                def gstep(j, acc):
                    idx = cbase + j
                    sv = plsc.load_gather(my_src, [idx])
                    wv = plsc.load_gather(my_w, [idx])
                    gv = plsc.load_gather(out_buf, [sv])
                    return acc + wv * gv

                acc = plsc.parallel_loop(
                    0, IN_DEG, unroll=16, carry=jnp.zeros((LANES,), jnp.float32)
                )(gstep)
                y = 1.0 / (1.0 + jnp.exp(-acc))
                pub[pl.ds(pl.multiple_of(g * LANES, LANES), LANES)] = y

            lax.fori_loop(0, GROUPS, lambda g, _: (gbody(g), 0)[1], 0)

        def exchange(l):
            sel = (l & 1) * XCHG
            pltpu.sync_copy(
                pub,
                shared.at[pl.ds(pl.multiple_of(sel + base, 8), NODES_PER_TILE)])
            plsc.subcore_barrier()
            pltpu.sync_copy(
                shared.at[pl.ds(pl.multiple_of(sel, 8), LAYER)],
                out_buf.at[pl.ds(pl.multiple_of((l + 1) * LAYER, 8), LAYER)],
            )

        compute_layer(0)
        for cp in late:
            cp.wait()
        exchange(0)

        def lstep(l, _):
            compute_layer(l)
            exchange(l)
            return 0
        lax.fori_loop(1, N_COMPUTED - 1, lstep, 0)

        compute_layer(N_COMPUTED - 1)
        pltpu.sync_copy(pub, out_hbm.at[pl.ds(base, NODES_PER_TILE)])


@jax.jit
def _run_net(src_all, w_all, inputs):
    mesh = plsc.VectorSubcoreMesh(
        core_axis_name="c", subcore_axis_name="s", num_cores=1
    )
    f = functools.partial(
        pl.kernel,
        mesh=mesh,
        compiler_params=pltpu.CompilerParams(needs_layout_passes=False),
        out_type=jax.ShapeDtypeStruct((LAYER,), jnp.float32),
        scratch_types=[
            pltpu.VMEM((N_NODES,), jnp.float32),
            pltpu.VMEM((N_COMPUTED * SLAB,), jnp.int32),
            pltpu.VMEM((N_COMPUTED * SLAB,), jnp.float32),
            pltpu.VMEM((NODES_PER_TILE,), jnp.float32),
            pltpu.VMEM_SHARED((2 * XCHG,), jnp.float32),
            pltpu.SemaphoreType.DMA,
            pltpu.SemaphoreType.DMA,
        ],
    )(_body)
    return f(src_all, w_all, inputs)


def kernel(inputs, edge_weight, edge_src, edge_dst):
    del edge_dst
    return _run_net(edge_src, edge_weight, inputs)

# --- scband reference (transcript-rebuilt; emitter-appended) ---
"""Pipeline reference for scband-neatnetwork-46746424050090 (READ-ONLY COPY).

The authoritative reference and input builder live on the scoring server;
editing this copy changes nothing except your own understanding.
"""

import jax, jax.numpy as jnp
import numpy as np

# NEAT genome realized as a layered feed-forward DAG.
# Layer 0 (nodes 0..999)       : input nodes  (output = inputs[node_id])
# Layers 1..8 (nodes 1000..8999): hidden nodes (sigmoid activation)
# Layer 9 (nodes 9000..9999)   : output nodes (sigmoid activation)
# Each non-input node has IN_DEG enabled connections whose in_node index is
# strictly smaller than the start of its own layer, so evaluating nodes in
# node_id order (as NEATNetwork.forward does) is well-defined.

N_INPUT = 1000
LAYER = 1000
N_LAYERS = 10  # layer 0 = inputs, layers 1..9 are computed; layer 9 = output nodes
N_NODES = N_LAYERS * LAYER  # 10000
IN_DEG = 16
N_EDGES = (N_LAYERS - 1) * LAYER * IN_DEG  # 144000


def setup_inputs(seed: int = 0) -> dict:
    key = jax.random.key(seed)
    k_in, k_src, k_w = jax.random.split(key, 3)
    inputs = jax.random.normal(k_in, (N_INPUT,), dtype=jnp.float32)
    src_chunks = []
    dst_chunks = []
    for l in range(1, N_LAYERS):
        kk = jax.random.fold_in(k_src, l)
        n_e = LAYER * IN_DEG
        # connection in_node drawn from any node in an earlier layer (valid DAG)
        src = jax.random.randint(kk, (n_e,), 0, l * LAYER, dtype=jnp.int32)
        dst = jnp.repeat(jnp.arange(l * LAYER, (l + 1) * LAYER, dtype=jnp.int32), IN_DEG)
        src_chunks.append(src)
        dst_chunks.append(dst)
    edge_src = jnp.concatenate(src_chunks)
    edge_dst = jnp.concatenate(dst_chunks)
    # connection gene weights
    edge_weight = jax.random.normal(k_w, (N_EDGES,), dtype=jnp.float32) * 0.5
    return {
        "inputs": inputs,
        "edge_weight": edge_weight,
        "edge_src": edge_src,
        "edge_dst": edge_dst,
    }


def reference(inputs, edge_weight, edge_src, edge_dst):
    # Faithful vectorization of NEATNetwork.forward:
    #   input node:     node.output = inputs[node_id]
    #   non-input node: node.output = sigmoid(sum_{c: c.out_node==node_id} c.weight * out[c.in_node])
    # Nodes are evaluated in node_id order; because the genome is a layered DAG
    # we evaluate one layer at a time with a gather + scatter-add (segment_sum).
    out = jnp.zeros((N_NODES,), dtype=jnp.float32).at[:N_INPUT].set(inputs)
    for l in range(1, N_LAYERS):
        mask = (edge_dst // LAYER) == l
        # gather in-node outputs, weight them; only edges feeding this layer contribute
        contrib = jnp.where(mask, edge_weight * out[edge_src], 0.0)
        sums = jax.ops.segment_sum(contrib, edge_dst, num_segments=N_NODES)
        layer_vals = jax.nn.sigmoid(sums[l * LAYER:(l + 1) * LAYER])
        out = out.at[l * LAYER:(l + 1) * LAYER].set(layer_vals)
    # outputs = [node.output for node in node_genes if node.node_type == 'output']
    return out[(N_LAYERS - 1) * LAYER:]

if __name__ == "__main__":
    import jax
    _d = setup_inputs()
    print(jax.jit(kernel)(*tuple(_d.values())))

</pallas_src>

<mosaic_0001>
#map = affine_map<(d0, d1) -> (0)>
module attributes {stable_mosaic.version = 14 : i64} {
  func.func @_body(%arg0: i32, %arg1: i32, %arg2: memref<144000xi32, #tpu.memory_space<hbm>>, %arg3: memref<144000xf32, #tpu.memory_space<hbm>>, %arg4: memref<1000xf32, #tpu.memory_space<hbm>>, %arg5: memref<1000xf32, #tpu.memory_space<hbm>>, %arg6: memref<10000xf32, #tpu.memory_space<vmem>>, %arg7: memref<9216xi32, #tpu.memory_space<vmem>>, %arg8: memref<9216xf32, #tpu.memory_space<vmem>>, %arg9: memref<64xf32, #tpu.memory_space<vmem>>, %arg10: memref<2048xf32, #tpu.memory_space<vmem_shared>>, %arg11: memref<!tpu.dma_semaphore, #tpu.memory_space<semaphore_mem>>, %arg12: memref<!tpu.dma_semaphore, #tpu.memory_space<semaphore_mem>>) attributes {dimension_semantics = [#tpu.dimension_semantics<core_parallel>, #tpu.dimension_semantics<subcore_parallel>], iteration_bounds = array<i64: 1, 16>, scalar_prefetch = 0 : i64, scratch_operands = 7 : i64, tpu.core_type = #tpu.core_type<sc_vector_subcore>, window_params = [{transform_indices = #map}, {transform_indices = #map}, {transform_indices = #map}, {transform_indices = #map}]} {
    %eq3A = arith.constant 0 : i32
    %eq3A_0 = arith.cmpi eq, %arg0, %eq3A : i32
    %convert_element_type3A = arith.extui %eq3A_0 : i1 to i32
    %cond3A = arith.constant 0 : i32
    %cond3A_1 = arith.cmpi ne, %convert_element_type3A, %cond3A : i32
    scf.if %cond3A_1 {
      %eq3A_2 = arith.constant 15 : i32
      %eq3A_3 = arith.cmpi eq, %arg1, %eq3A_2 : i32
      %mul3A = arith.constant 64 : i32
      %mul3A_4 = arith.muli %arg1, %mul3A : i32
      %jit3A = arith.constant 936 : i32
      %select_n3A = arith.select %eq3A_3, %jit3A, %mul3A_4 : i32
      %mul3A_5 = arith.constant 16 : i32
      %mul3A_6 = arith.muli %select_n3A, %mul3A_5 : i32
      %dma_start3A = arith.constant 0 : i32
      %dma_start3A_7 = tpu.memref_slice %arg7[%dma_start3A] : memref<9216xi32, #tpu.memory_space<vmem>> -> memref<1024xi32, #tpu.memory_space<vmem>>
      %dma_start3A_8 = tpu.memref_slice %arg2[%mul3A_6] : memref<144000xi32, #tpu.memory_space<hbm>> -> memref<1024xi32, #tpu.memory_space<hbm>>
      %dma_start3A_9 = arith.constant 0 : i32
      %dma_start3A_10 = tpu.memref_slice %arg7[%dma_start3A_9] : memref<9216xi32, #tpu.memory_space<vmem>> -> memref<1024xi32, #tpu.memory_space<vmem>>
      %dma_start3A_11 = tpu.memref_slice %arg2[%mul3A_6] : memref<144000xi32, #tpu.memory_space<hbm>> -> memref<1024xi32, #tpu.memory_space<hbm>>
      tpu.enqueue_dma source(%dma_start3A_11 : memref<1024xi32, #tpu.memory_space<hbm>>) target(%dma_start3A_10 : memref<1024xi32, #tpu.memory_space<vmem>>) target_semaphore(%arg11 : memref<!tpu.dma_semaphore, #tpu.memory_space<semaphore_mem>>)
      %dma_start3A_12 = arith.constant 0 : i32
      %dma_start3A_13 = tpu.memref_slice %arg8[%dma_start3A_12] : memref<9216xf32, #tpu.memory_space<vmem>> -> memref<1024xf32, #tpu.memory_space<vmem>>
      %dma_start3A_14 = tpu.memref_slice %arg3[%mul3A_6] : memref<144000xf32, #tpu.memory_space<hbm>> -> memref<1024xf32, #tpu.memory_space<hbm>>
      %dma_start3A_15 = arith.constant 0 : i32
      %dma_start3A_16 = tpu.memref_slice %arg8[%dma_start3A_15] : memref<9216xf32, #tpu.memory_space<vmem>> -> memref<1024xf32, #tpu.memory_space<vmem>>
      %dma_start3A_17 = tpu.memref_slice %arg3[%mul3A_6] : memref<144000xf32, #tpu.memory_space<hbm>> -> memref<1024xf32, #tpu.memory_space<hbm>>
      tpu.enqueue_dma source(%dma_start3A_17 : memref<1024xf32, #tpu.memory_space<hbm>>) target(%dma_start3A_16 : memref<1024xf32, #tpu.memory_space<vmem>>) target_semaphore(%arg11 : memref<!tpu.dma_semaphore, #tpu.memory_space<semaphore_mem>>)
      %dma_start3A_18 = arith.constant 0 : i32
      %dma_start3A_19 = tpu.memref_slice %arg6[%dma_start3A_18] : memref<10000xf32, #tpu.memory_space<vmem>> -> memref<1000xf32, #tpu.memory_space<vmem>>
      %dma_start3A_20 = arith.constant 0 : i32
      %dma_start3A_21 = tpu.memref_slice %arg6[%dma_start3A_20] : memref<10000xf32, #tpu.memory_space<vmem>> -> memref<1000xf32, #tpu.memory_space<vmem>>
      tpu.enqueue_dma source(%arg4 : memref<1000xf32, #tpu.memory_space<hbm>>) target(%dma_start3A_21 : memref<1000xf32, #tpu.memory_space<vmem>>) target_semaphore(%arg11 : memref<!tpu.dma_semaphore, #tpu.memory_space<semaphore_mem>>)
      %add3A = arith.constant 16000 : i32
      %add3A_22 = arith.addi %mul3A_6, %add3A : i32
      %dma_start3A_23 = arith.constant 1024 : i32
      %dma_start3A_24 = tpu.memref_slice %arg7[%dma_start3A_23] : memref<9216xi32, #tpu.memory_space<vmem>> -> memref<1024xi32, #tpu.memory_space<vmem>>
      %dma_start3A_25 = tpu.memref_slice %arg2[%add3A_22] : memref<144000xi32, #tpu.memory_space<hbm>> -> memref<1024xi32, #tpu.memory_space<hbm>>
      %dma_start3A_26 = arith.constant 1024 : i32
      %dma_start3A_27 = tpu.memref_slice %arg7[%dma_start3A_26] : memref<9216xi32, #tpu.memory_space<vmem>> -> memref<1024xi32, #tpu.memory_space<vmem>>
      %dma_start3A_28 = tpu.memref_slice %arg2[%add3A_22] : memref<144000xi32, #tpu.memory_space<hbm>> -> memref<1024xi32, #tpu.memory_space<hbm>>
      tpu.enqueue_dma source(%dma_start3A_28 : memref<1024xi32, #tpu.memory_space<hbm>>) target(%dma_start3A_27 : memref<1024xi32, #tpu.memory_space<vmem>>) target_semaphore(%arg12 : memref<!tpu.dma_semaphore, #tpu.memory_space<semaphore_mem>>)
      %dma_start3A_29 = arith.constant 1024 : i32
      %dma_start3A_30 = tpu.memref_slice %arg8[%dma_start3A_29] : memref<9216xf32, #tpu.memory_space<vmem>> -> memref<1024xf32, #tpu.memory_space<vmem>>
      %dma_start3A_31 = tpu.memref_slice %arg3[%add3A_22] : memref<144000xf32, #tpu.memory_space<hbm>> -> memref<1024xf32, #tpu.memory_space<hbm>>
      %dma_start3A_32 = arith.constant 1024 : i32
      %dma_start3A_33 = tpu.memref_slice %arg8[%dma_start3A_32] : memref<9216xf32, #tpu.memory_space<vmem>> -> memref<1024xf32, #tpu.memory_space<vmem>>
      %dma_start3A_34 = tpu.memref_slice %arg3[%add3A_22] : memref<144000xf32, #tpu.memory_space<hbm>> -> memref<1024xf32, #tpu.memory_space<hbm>>
      tpu.enqueue_dma source(%dma_start3A_34 : memref<1024xf32, #tpu.memory_space<hbm>>) target(%dma_start3A_33 : memref<1024xf32, #tpu.memory_space<vmem>>) target_semaphore(%arg12 : memref<!tpu.dma_semaphore, #tpu.memory_space<semaphore_mem>>)
      %add3A_35 = arith.constant 32000 : i32
      %add3A_36 = arith.addi %mul3A_6, %add3A_35 : i32
      %dma_start3A_37 = arith.constant 2048 : i32
      %dma_start3A_38 = tpu.memref_slice %arg7[%dma_start3A_37] : memref<9216xi32, #tpu.memory_space<vmem>> -> memref<1024xi32, #tpu.memory_space<vmem>>
      %dma_start3A_39 = tpu.memref_slice %arg2[%add3A_36] : memref<144000xi32, #tpu.memory_space<hbm>> -> memref<1024xi32, #tpu.memory_space<hbm>>
      %dma_start3A_40 = arith.constant 2048 : i32
      %dma_start3A_41 = tpu.memref_slice %arg7[%dma_start3A_40] : memref<9216xi32, #tpu.memory_space<vmem>> -> memref<1024xi32, #tpu.memory_space<vmem>>
      %dma_start3A_42 = tpu.memref_slice %arg2[%add3A_36] : memref<144000xi32, #tpu.memory_space<hbm>> -> memref<1024xi32, #tpu.memory_space<hbm>>
      tpu.enqueue_dma source(%dma_start3A_42 : memref<1024xi32, #tpu.memory_space<hbm>>) target(%dma_start3A_41 : memref<1024xi32, #tpu.memory_space<vmem>>) target_semaphore(%arg12 : memref<!tpu.dma_semaphore, #tpu.memory_space<semaphore_mem>>)
      %dma_start3A_43 = arith.constant 2048 : i32
      %dma_start3A_44 = tpu.memref_slice %arg8[%dma_start3A_43] : memref<9216xf32, #tpu.memory_space<vmem>> -> memref<1024xf32, #tpu.memory_space<vmem>>
      %dma_start3A_45 = tpu.memref_slice %arg3[%add3A_36] : memref<144000xf32, #tpu.memory_space<hbm>> -> memref<1024xf32, #tpu.memory_space<hbm>>
      %dma_start3A_46 = arith.constant 2048 : i32
      %dma_start3A_47 = tpu.memref_slice %arg8[%dma_start3A_46] : memref<9216xf32, #tpu.memory_space<vmem>> -> memref<1024xf32, #tpu.memory_space<vmem>>
      %dma_start3A_48 = tpu.memref_slice %arg3[%add3A_36] : memref<144000xf32, #tpu.memory_space<hbm>> -> memref<1024xf32, #tpu.memory_space<hbm>>
      tpu.enqueue_dma source(%dma_start3A_48 : memref<1024xf32, #tpu.memory_space<hbm>>) target(%dma_start3A_47 : memref<1024xf32, #tpu.memory_space<vmem>>) target_semaphore(%arg12 : memref<!tpu.dma_semaphore, #tpu.memory_space<semaphore_mem>>)
      %add3A_49 = arith.constant 48000 : i32
      %add3A_50 = arith.addi %mul3A_6, %add3A_49 : i32
      %dma_start3A_51 = arith.constant 3072 : i32
      %dma_start3A_52 = tpu.memref_slice %arg7[%dma_start3A_51] : memref<9216xi32, #tpu.memory_space<vmem>> -> memref<1024xi32, #tpu.memory_space<vmem>>
      %dma_start3A_53 = tpu.memref_slice %arg2[%add3A_50] : memref<144000xi32, #tpu.memory_space<hbm>> -> memref<1024xi32, #tpu.memory_space<hbm>>
      %dma_start3A_54 = arith.constant 3072 : i32
      %dma_start3A_55 = tpu.memref_slice %arg7[%dma_start3A_54] : memref<9216xi32, #tpu.memory_space<vmem>> -> memref<1024xi32, #tpu.memory_space<vmem>>
      %dma_start3A_56 = tpu.memref_slice %arg2[%add3A_50] : memref<144000xi32, #tpu.memory_space<hbm>> -> memref<1024xi32, #tpu.memory_space<hbm>>
      tpu.enqueue_dma source(%dma_start3A_56 : memref<1024xi32, #tpu.memory_space<hbm>>) target(%dma_start3A_55 : memref<1024xi32, #tpu.memory_space<vmem>>) target_semaphore(%arg12 : memref<!tpu.dma_semaphore, #tpu.memory_space<semaphore_mem>>)
      %dma_start3A_57 = arith.constant 3072 : i32
      %dma_start3A_58 = tpu.memref_slice %arg8[%dma_start3A_57] : memref<9216xf32, #tpu.memory_space<vmem>> -> memref<1024xf32, #tpu.memory_space<vmem>>
      %dma_start3A_59 = tpu.memref_slice %arg3[%add3A_50] : memref<144000xf32, #tpu.memory_space<hbm>> -> memref<1024xf32, #tpu.memory_space<hbm>>
      %dma_start3A_60 = arith.constant 3072 : i32
      %dma_start3A_61 = tpu.memref_slice %arg8[%dma_start3A_60] : memref<9216xf32, #tpu.memory_space<vmem>> -> memref<1024xf32, #tpu.memory_space<vmem>>
      %dma_start3A_62 = tpu.memref_slice %arg3[%add3A_50] : memref<144000xf32, #tpu.memory_space<hbm>> -> memref<1024xf32, #tpu.memory_space<hbm>>
      tpu.enqueue_dma source(%dma_start3A_62 : memref<1024xf32, #tpu.memory_space<hbm>>) target(%dma_start3A_61 : memref<1024xf32, #tpu.memory_space<vmem>>) target_semaphore(%arg12 : memref<!tpu.dma_semaphore, #tpu.memory_space<semaphore_mem>>)
      %add3A_63 = arith.constant 64000 : i32
      %add3A_64 = arith.addi %mul3A_6, %add3A_63 : i32
      %dma_start3A_65 = arith.constant 4096 : i32
      %dma_start3A_66 = tpu.memref_slice %arg7[%dma_start3A_65] : memref<9216xi32, #tpu.memory_space<vmem>> -> memref<1024xi32, #tpu.memory_space<vmem>>
      %dma_start3A_67 = tpu.memref_slice %arg2[%add3A_64] : memref<144000xi32, #tpu.memory_space<hbm>> -> memref<1024xi32, #tpu.memory_space<hbm>>
      %dma_start3A_68 = arith.constant 4096 : i32
      %dma_start3A_69 = tpu.memref_slice %arg7[%dma_start3A_68] : memref<9216xi32, #tpu.memory_space<vmem>> -> memref<1024xi32, #tpu.memory_space<vmem>>
      %dma_start3A_70 = tpu.memref_slice %arg2[%add3A_64] : memref<144000xi32, #tpu.memory_space<hbm>> -> memref<1024xi32, #tpu.memory_space<hbm>>
      tpu.enqueue_dma source(%dma_start3A_70 : memref<1024xi32, #tpu.memory_space<hbm>>) target(%dma_start3A_69 : memref<1024xi32, #tpu.memory_space<vmem>>) target_semaphore(%arg12 : memref<!tpu.dma_semaphore, #tpu.memory_space<semaphore_mem>>)
      %dma_start3A_71 = arith.constant 4096 : i32
      %dma_start3A_72 = tpu.memref_slice %arg8[%dma_start3A_71] : memref<9216xf32, #tpu.memory_space<vmem>> -> memref<1024xf32, #tpu.memory_space<vmem>>
      %dma_start3A_73 = tpu.memref_slice %arg3[%add3A_64] : memref<144000xf32, #tpu.memory_space<hbm>> -> memref<1024xf32, #tpu.memory_space<hbm>>
      %dma_start3A_74 = arith.constant 4096 : i32
      %dma_start3A_75 = tpu.memref_slice %arg8[%dma_start3A_74] : memref<9216xf32, #tpu.memory_space<vmem>> -> memref<1024xf32, #tpu.memory_space<vmem>>
      %dma_start3A_76 = tpu.memref_slice %arg3[%add3A_64] : memref<144000xf32, #tpu.memory_space<hbm>> -> memref<1024xf32, #tpu.memory_space<hbm>>
      tpu.enqueue_dma source(%dma_start3A_76 : memref<1024xf32, #tpu.memory_space<hbm>>) target(%dma_start3A_75 : memref<1024xf32, #tpu.memory_space<vmem>>) target_semaphore(%arg12 : memref<!tpu.dma_semaphore, #tpu.memory_space<semaphore_mem>>)
      %add3A_77 = arith.constant 80000 : i32
      %add3A_78 = arith.addi %mul3A_6, %add3A_77 : i32
      %dma_start3A_79 = arith.constant 5120 : i32
      %dma_start3A_80 = tpu.memref_slice %arg7[%dma_start3A_79] : memref<9216xi32, #tpu.memory_space<vmem>> -> memref<1024xi32, #tpu.memory_space<vmem>>
      %dma_start3A_81 = tpu.memref_slice %arg2[%add3A_78] : memref<144000xi32, #tpu.memory_space<hbm>> -> memref<1024xi32, #tpu.memory_space<hbm>>
      %dma_start3A_82 = arith.constant 5120 : i32
      %dma_start3A_83 = tpu.memref_slice %arg7[%dma_start3A_82] : memref<9216xi32, #tpu.memory_space<vmem>> -> memref<1024xi32, #tpu.memory_space<vmem>>
      %dma_start3A_84 = tpu.memref_slice %arg2[%add3A_78] : memref<144000xi32, #tpu.memory_space<hbm>> -> memref<1024xi32, #tpu.memory_space<hbm>>
      tpu.enqueue_dma source(%dma_start3A_84 : memref<1024xi32, #tpu.memory_space<hbm>>) target(%dma_start3A_83 : memref<1024xi32, #tpu.memory_space<vmem>>) target_semaphore(%arg12 : memref<!tpu.dma_semaphore, #tpu.memory_space<semaphore_mem>>)
      %dma_start3A_85 = arith.constant 5120 : i32
      %dma_start3A_86 = tpu.memref_slice %arg8[%dma_start3A_85] : memref<9216xf32, #tpu.memory_space<vmem>> -> memref<1024xf32, #tpu.memory_space<vmem>>
      %dma_start3A_87 = tpu.memref_slice %arg3[%add3A_78] : memref<144000xf32, #tpu.memory_space<hbm>> -> memref<1024xf32, #tpu.memory_space<hbm>>
      %dma_start3A_88 = arith.constant 5120 : i32
      %dma_start3A_89 = tpu.memref_slice %arg8[%dma_start3A_88] : memref<9216xf32, #tpu.memory_space<vmem>> -> memref<1024xf32, #tpu.memory_space<vmem>>
      %dma_start3A_90 = tpu.memref_slice %arg3[%add3A_78] : memref<144000xf32, #tpu.memory_space<hbm>> -> memref<1024xf32, #tpu.memory_space<hbm>>
      tpu.enqueue_dma source(%dma_start3A_90 : memref<1024xf32, #tpu.memory_space<hbm>>) target(%dma_start3A_89 : memref<1024xf32, #tpu.memory_space<vmem>>) target_semaphore(%arg12 : memref<!tpu.dma_semaphore, #tpu.memory_space<semaphore_mem>>)
      %add3A_91 = arith.constant 96000 : i32
      %add3A_92 = arith.addi %mul3A_6, %add3A_91 : i32
      %dma_start3A_93 = arith.constant 6144 : i32
      %dma_start3A_94 = tpu.memref_slice %arg7[%dma_start3A_93] : memref<9216xi32, #tpu.memory_space<vmem>> -> memref<1024xi32, #tpu.memory_space<vmem>>
      %dma_start3A_95 = tpu.memref_slice %arg2[%add3A_92] : memref<144000xi32, #tpu.memory_space<hbm>> -> memref<1024xi32, #tpu.memory_space<hbm>>
      %dma_start3A_96 = arith.constant 6144 : i32
      %dma_start3A_97 = tpu.memref_slice %arg7[%dma_start3A_96] : memref<9216xi32, #tpu.memory_space<vmem>> -> memref<1024xi32, #tpu.memory_space<vmem>>
      %dma_start3A_98 = tpu.memref_slice %arg2[%add3A_92] : memref<144000xi32, #tpu.memory_space<hbm>> -> memref<1024xi32, #tpu.memory_space<hbm>>
      tpu.enqueue_dma source(%dma_start3A_98 : memref<1024xi32, #tpu.memory_space<hbm>>) target(%dma_start3A_97 : memref<1024xi32, #tpu.memory_space<vmem>>) target_semaphore(%arg12 : memref<!tpu.dma_semaphore, #tpu.memory_space<semaphore_mem>>)
      %dma_start3A_99 = arith.constant 6144 : i32
      %dma_start3A_100 = tpu.memref_slice %arg8[%dma_start3A_99] : memref<9216xf32, #tpu.memory_space<vmem>> -> memref<1024xf32, #tpu.memory_space<vmem>>
      %dma_start3A_101 = tpu.memref_slice %arg3[%add3A_92] : memref<144000xf32, #tpu.memory_space<hbm>> -> memref<1024xf32, #tpu.memory_space<hbm>>
      %dma_start3A_102 = arith.constant 6144 : i32
      %dma_start3A_103 = tpu.memref_slice %arg8[%dma_start3A_102] : memref<9216xf32, #tpu.memory_space<vmem>> -> memref<1024xf32, #tpu.memory_space<vmem>>
      %dma_start3A_104 = tpu.memref_slice %arg3[%add3A_92] : memref<144000xf32, #tpu.memory_space<hbm>> -> memref<1024xf32, #tpu.memory_space<hbm>>
      tpu.enqueue_dma source(%dma_start3A_104 : memref<1024xf32, #tpu.memory_space<hbm>>) target(%dma_start3A_103 : memref<1024xf32, #tpu.memory_space<vmem>>) target_semaphore(%arg12 : memref<!tpu.dma_semaphore, #tpu.memory_space<semaphore_mem>>)
      %add3A_105 = arith.constant 112000 : i32
      %add3A_106 = arith.addi %mul3A_6, %add3A_105 : i32
      %dma_start3A_107 = arith.constant 7168 : i32
      %dma_start3A_108 = tpu.memref_slice %arg7[%dma_start3A_107] : memref<9216xi32, #tpu.memory_space<vmem>> -> memref<1024xi32, #tpu.memory_space<vmem>>
      %dma_start3A_109 = tpu.memref_slice %arg2[%add3A_106] : memref<144000xi32, #tpu.memory_space<hbm>> -> memref<1024xi32, #tpu.memory_space<hbm>>
      %dma_start3A_110 = arith.constant 7168 : i32
      %dma_start3A_111 = tpu.memref_slice %arg7[%dma_start3A_110] : memref<9216xi32, #tpu.memory_space<vmem>> -> memref<1024xi32, #tpu.memory_space<vmem>>
      %dma_start3A_112 = tpu.memref_slice %arg2[%add3A_106] : memref<144000xi32, #tpu.memory_space<hbm>> -> memref<1024xi32, #tpu.memory_space<hbm>>
      tpu.enqueue_dma source(%dma_start3A_112 : memref<1024xi32, #tpu.memory_space<hbm>>) target(%dma_start3A_111 : memref<1024xi32, #tpu.memory_space<vmem>>) target_semaphore(%arg12 : memref<!tpu.dma_semaphore, #tpu.memory_space<semaphore_mem>>)
      %dma_start3A_113 = arith.constant 7168 : i32
      %dma_start3A_114 = tpu.memref_slice %arg8[%dma_start3A_113] : memref<9216xf32, #tpu.memory_space<vmem>> -> memref<1024xf32, #tpu.memory_space<vmem>>
      %dma_start3A_115 = tpu.memref_slice %arg3[%add3A_106] : memref<144000xf32, #tpu.memory_space<hbm>> -> memref<1024xf32, #tpu.memory_space<hbm>>
      %dma_start3A_116 = arith.constant 7168 : i32
      %dma_start3A_117 = tpu.memref_slice %arg8[%dma_start3A_116] : memref<9216xf32, #tpu.memory_space<vmem>> -> memref<1024xf32, #tpu.memory_space<vmem>>
      %dma_start3A_118 = tpu.memref_slice %arg3[%add3A_106] : memref<144000xf32, #tpu.memory_space<hbm>> -> memref<1024xf32, #tpu.memory_space<hbm>>
      tpu.enqueue_dma source(%dma_start3A_118 : memref<1024xf32, #tpu.memory_space<hbm>>) target(%dma_start3A_117 : memref<1024xf32, #tpu.memory_space<vmem>>) target_semaphore(%arg12 : memref<!tpu.dma_semaphore, #tpu.memory_space<semaphore_mem>>)
      %add3A_119 = arith.constant 128000 : i32
      %add3A_120 = arith.addi %mul3A_6, %add3A_119 : i32
      %dma_start3A_121 = arith.constant 8192 : i32
      %dma_start3A_122 = tpu.memref_slice %arg7[%dma_start3A_121] : memref<9216xi32, #tpu.memory_space<vmem>> -> memref<1024xi32, #tpu.memory_space<vmem>>
      %dma_start3A_123 = tpu.memref_slice %arg2[%add3A_120] : memref<144000xi32, #tpu.memory_space<hbm>> -> memref<1024xi32, #tpu.memory_space<hbm>>
      %dma_start3A_124 = arith.constant 8192 : i32
      %dma_start3A_125 = tpu.memref_slice %arg7[%dma_start3A_124] : memref<9216xi32, #tpu.memory_space<vmem>> -> memref<1024xi32, #tpu.memory_space<vmem>>
      %dma_start3A_126 = tpu.memref_slice %arg2[%add3A_120] : memref<144000xi32, #tpu.memory_space<hbm>> -> memref<1024xi32, #tpu.memory_space<hbm>>
      tpu.enqueue_dma source(%dma_start3A_126 : memref<1024xi32, #tpu.memory_space<hbm>>) target(%dma_start3A_125 : memref<1024xi32, #tpu.memory_space<vmem>>) target_semaphore(%arg12 : memref<!tpu.dma_semaphore, #tpu.memory_space<semaphore_mem>>)
      %dma_start3A_127 = arith.constant 8192 : i32
      %dma_start3A_128 = tpu.memref_slice %arg8[%dma_start3A_127] : memref<9216xf32, #tpu.memory_space<vmem>> -> memref<1024xf32, #tpu.memory_space<vmem>>
      %dma_start3A_129 = tpu.memref_slice %arg3[%add3A_120] : memref<144000xf32, #tpu.memory_space<hbm>> -> memref<1024xf32, #tpu.memory_space<hbm>>
      %dma_start3A_130 = arith.constant 8192 : i32
      %dma_start3A_131 = tpu.memref_slice %arg8[%dma_start3A_130] : memref<9216xf32, #tpu.memory_space<vmem>> -> memref<1024xf32, #tpu.memory_space<vmem>>
      %dma_start3A_132 = tpu.memref_slice %arg3[%add3A_120] : memref<144000xf32, #tpu.memory_space<hbm>> -> memref<1024xf32, #tpu.memory_space<hbm>>
      tpu.enqueue_dma source(%dma_start3A_132 : memref<1024xf32, #tpu.memory_space<hbm>>) target(%dma_start3A_131 : memref<1024xf32, #tpu.memory_space<vmem>>) target_semaphore(%arg12 : memref<!tpu.dma_semaphore, #tpu.memory_space<semaphore_mem>>)
      %dma_wait3A = arith.constant 0 : i32
      %dma_wait3A_133 = tpu.memref_slice %arg7[%dma_wait3A] : memref<9216xi32, #tpu.memory_space<vmem>> -> memref<1024xi32, #tpu.memory_space<vmem>>
      %dma_wait3A_134 = tpu.memref_slice %arg2[%mul3A_6] : memref<144000xi32, #tpu.memory_space<hbm>> -> memref<1024xi32, #tpu.memory_space<hbm>>
      %dma_wait3A_135 = arith.constant 0 : i32
      %dma_wait3A_136 = tpu.memref_slice %arg7[%dma_wait3A_135] : memref<9216xi32, #tpu.memory_space<vmem>> -> memref<1024xi32, #tpu.memory_space<vmem>>
      %dma_wait3A_137 = tpu.memref_slice %arg2[%mul3A_6] : memref<144000xi32, #tpu.memory_space<hbm>> -> memref<1024xi32, #tpu.memory_space<hbm>>
      tpu.wait_dma2 semaphore(%arg11 : memref<!tpu.dma_semaphore, #tpu.memory_space<semaphore_mem>>) src(%dma_wait3A_137 : memref<1024xi32, #tpu.memory_space<hbm>>) dst(%dma_wait3A_136 : memref<1024xi32, #tpu.memory_space<vmem>>)
      %dma_wait3A_138 = arith.constant 0 : i32
      %dma_wait3A_139 = tpu.memref_slice %arg8[%dma_wait3A_138] : memref<9216xf32, #tpu.memory_space<vmem>> -> memref<1024xf32, #tpu.memory_space<vmem>>
      %dma_wait3A_140 = tpu.memref_slice %arg3[%mul3A_6] : memref<144000xf32, #tpu.memory_space<hbm>> -> memref<1024xf32, #tpu.memory_space<hbm>>
      %dma_wait3A_141 = arith.constant 0 : i32
      %dma_wait3A_142 = tpu.memref_slice %arg8[%dma_wait3A_141] : memref<9216xf32, #tpu.memory_space<vmem>> -> memref<1024xf32, #tpu.memory_space<vmem>>
      %dma_wait3A_143 = tpu.memref_slice %arg3[%mul3A_6] : memref<144000xf32, #tpu.memory_space<hbm>> -> memref<1024xf32, #tpu.memory_space<hbm>>
      tpu.wait_dma2 semaphore(%arg11 : memref<!tpu.dma_semaphore, #tpu.memory_space<semaphore_mem>>) src(%dma_wait3A_143 : memref<1024xf32, #tpu.memory_space<hbm>>) dst(%dma_wait3A_142 : memref<1024xf32, #tpu.memory_space<vmem>>)
      %dma_wait3A_144 = arith.constant 0 : i32
      %dma_wait3A_145 = tpu.memref_slice %arg6[%dma_wait3A_144] : memref<10000xf32, #tpu.memory_space<vmem>> -> memref<1000xf32, #tpu.memory_space<vmem>>
      %dma_wait3A_146 = arith.constant 0 : i32
      %dma_wait3A_147 = tpu.memref_slice %arg6[%dma_wait3A_146] : memref<10000xf32, #tpu.memory_space<vmem>> -> memref<1000xf32, #tpu.memory_space<vmem>>
      tpu.wait_dma2 semaphore(%arg11 : memref<!tpu.dma_semaphore, #tpu.memory_space<semaphore_mem>>) src(%arg4 : memref<1000xf32, #tpu.memory_space<hbm>>) dst(%dma_wait3A_147 : memref<1000xf32, #tpu.memory_space<vmem>>)
      %iota3A = tpu.iota {dimensions = array<i32: 0>} : vector<16xi32>
      %mul3A_148 = arith.constant 16 : i32
      %mul3A_149 = vector.broadcast %mul3A_148 : i32 to vector<16xi32>
      %mul3A_150 = arith.muli %iota3A, %mul3A_149 : vector<16xi32>
      %scan3A = arith.constant 0 : i32
      %scan3A_151 = arith.constant 0 : i32
      %scan3A_152 = arith.constant 4 : i32
      %scan3A_153 = arith.addi %scan3A_151, %scan3A_152 : i32
      %scan3A_154 = arith.constant 1 : i32
      %scan3A_155 = scf.for %scan3A_273 = %scan3A_151 to %scan3A_153 step %scan3A_154 iter_args(%scan3A_274 = %scan3A) -> (i32)  : i32 {
        %mul3A_275 = arith.constant 256 : i32
        %mul3A_276 = arith.muli %scan3A_273, %mul3A_275 : i32
        %add3A_277 = arith.constant 0 : i32
        %add3A_278 = arith.addi %add3A_277, %mul3A_276 : i32
        %add3A_279 = vector.broadcast %add3A_278 : i32 to vector<16xi32>
        %add3A_280 = arith.addi %mul3A_150, %add3A_279 : vector<16xi32>
        %broadcast_in_dim3A = arith.constant 0.000000e+00 : f32
        %broadcast_in_dim3A_281 = vector.broadcast %broadcast_in_dim3A : f32 to vector<16xf32>
        %parallel_loop3A = arith.constant 0 : i32
        %parallel_loop3A_282 = arith.constant 16 : i32
        %parallel_loop3A_283 = arith.constant 1 : i32
        %parallel_loop3A_284 = scf.for %parallel_loop3A_297 = %parallel_loop3A to %parallel_loop3A_282 step %parallel_loop3A_283 iter_args(%parallel_loop3A_298 = %broadcast_in_dim3A_281) -> (vector<16xf32>)  : i32 {
          %parallel_loop3A_299 = vector.broadcast %parallel_loop3A_297 : i32 to vector<16xi32>
          %parallel_loop3A_300 = arith.addi %add3A_280, %parallel_loop3A_299 : vector<16xi32>
          %parallel_loop3A_301 = tpu.vector_load_idx %arg7[%parallel_loop3A_300] : memref<9216xi32, #tpu.memory_space<vmem>>[vector<16xi32>], vector<16xi32>,
          %parallel_loop3A_302 = tpu.vector_load_idx %arg8[%parallel_loop3A_300] : memref<9216xf32, #tpu.memory_space<vmem>>[vector<16xi32>], vector<16xf32>,
          %parallel_loop3A_303 = tpu.vector_load_idx %arg6[%parallel_loop3A_301] : memref<10000xf32, #tpu.memory_space<vmem>>[vector<16xi32>], vector<16xf32>,
          %parallel_loop3A_304 = arith.mulf %parallel_loop3A_302, %parallel_loop3A_303 : vector<16xf32>
          %parallel_loop3A_305 = arith.addf %parallel_loop3A_298, %parallel_loop3A_304 : vector<16xf32>
          scf.yield %parallel_loop3A_305 : vector<16xf32>
        } {sc.loop_unroll_factor = 16 : i64, sc.parallel_access}
        %neg3A = arith.constant 0.000000e+00 : f32
        %neg3A_285 = vector.broadcast %neg3A : f32 to vector<16xf32>
        %neg3A_286 = arith.subf %neg3A_285, %parallel_loop3A_284 : vector<16xf32>
        %exp3A = math.exp %neg3A_286 : vector<16xf32>
        %add3A_287 = arith.constant 1.000000e+00 : f32
        %add3A_288 = vector.broadcast %add3A_287 : f32 to vector<16xf32>
        %add3A_289 = arith.addf %add3A_288, %exp3A : vector<16xf32>
        %div3A = arith.constant 1.000000e+00 : f32
        %div3A_290 = vector.broadcast %div3A : f32 to vector<16xf32>
        %div3A_291 = arith.divf %div3A_290, %add3A_289 : vector<16xf32>
        %mul3A_292 = arith.constant 16 : i32
        %mul3A_293 = arith.muli %scan3A_273, %mul3A_292 : i32
        %multiple_of3A_294 = tpu.assume_multiple %mul3A_293, 16 : i32
        %swap3A = arith.index_cast %multiple_of3A_294 : i32 to index
        %swap3A_295 = tpu.vector_load %arg9[%swap3A] {strides = array<i32>} : memref<64xf32, #tpu.memory_space<vmem>>, vector<16xf32>,
        tpu.vector_store %arg9[%swap3A], %div3A_291 {strides = array<i32>} : memref<64xf32, #tpu.memory_space<vmem>>, vector<16xf32>,
        %scan3A_296 = arith.constant 0 : i32
        scf.yield %scan3A_296 : i32
      }
      %scan3A_156 = arith.constant 4 : i32
      %dma_wait3A_157 = arith.constant 1024 : i32
      %dma_wait3A_158 = tpu.memref_slice %arg7[%dma_wait3A_157] : memref<9216xi32, #tpu.memory_space<vmem>> -> memref<1024xi32, #tpu.memory_space<vmem>>
      %dma_wait3A_159 = tpu.memref_slice %arg2[%add3A_22] : memref<144000xi32, #tpu.memory_space<hbm>> -> memref<1024xi32, #tpu.memory_space<hbm>>
      %dma_wait3A_160 = arith.constant 1024 : i32
      %dma_wait3A_161 = tpu.memref_slice %arg7[%dma_wait3A_160] : memref<9216xi32, #tpu.memory_space<vmem>> -> memref<1024xi32, #tpu.memory_space<vmem>>
      %dma_wait3A_162 = tpu.memref_slice %arg2[%add3A_22] : memref<144000xi32, #tpu.memory_space<hbm>> -> memref<1024xi32, #tpu.memory_space<hbm>>
      tpu.wait_dma2 semaphore(%arg12 : memref<!tpu.dma_semaphore, #tpu.memory_space<semaphore_mem>>) src(%dma_wait3A_162 : memref<1024xi32, #tpu.memory_space<hbm>>) dst(%dma_wait3A_161 : memref<1024xi32, #tpu.memory_space<vmem>>)
      %dma_wait3A_163 = arith.constant 1024 : i32
      %dma_wait3A_164 = tpu.memref_slice %arg8[%dma_wait3A_163] : memref<9216xf32, #tpu.memory_space<vmem>> -> memref<1024xf32, #tpu.memory_space<vmem>>
      %dma_wait3A_165 = tpu.memref_slice %arg3[%add3A_22] : memref<144000xf32, #tpu.memory_space<hbm>> -> memref<1024xf32, #tpu.memory_space<hbm>>
      %dma_wait3A_166 = arith.constant 1024 : i32
      %dma_wait3A_167 = tpu.memref_slice %arg8[%dma_wait3A_166] : memref<9216xf32, #tpu.memory_space<vmem>> -> memref<1024xf32, #tpu.memory_space<vmem>>
      %dma_wait3A_168 = tpu.memref_slice %arg3[%add3A_22] : memref<144000xf32, #tpu.memory_space<hbm>> -> memref<1024xf32, #tpu.memory_space<hbm>>
      tpu.wait_dma2 semaphore(%arg12 : memref<!tpu.dma_semaphore, #tpu.memory_space<semaphore_mem>>) src(%dma_wait3A_168 : memref<1024xf32, #tpu.memory_space<hbm>>) dst(%dma_wait3A_167 : memref<1024xf32, #tpu.memory_space<vmem>>)
      %dma_wait3A_169 = arith.constant 2048 : i32
      %dma_wait3A_170 = tpu.memref_slice %arg7[%dma_wait3A_169] : memref<9216xi32, #tpu.memory_space<vmem>> -> memref<1024xi32, #tpu.memory_space<vmem>>
      %dma_wait3A_171 = tpu.memref_slice %arg2[%add3A_36] : memref<144000xi32, #tpu.memory_space<hbm>> -> memref<1024xi32, #tpu.memory_space<hbm>>
      %dma_wait3A_172 = arith.constant 2048 : i32
      %dma_wait3A_173 = tpu.memref_slice %arg7[%dma_wait3A_172] : memref<9216xi32, #tpu.memory_space<vmem>> -> memref<1024xi32, #tpu.memory_space<vmem>>
      %dma_wait3A_174 = tpu.memref_slice %arg2[%add3A_36] : memref<144000xi32, #tpu.memory_space<hbm>> -> memref<1024xi32, #tpu.memory_space<hbm>>
      tpu.wait_dma2 semaphore(%arg12 : memref<!tpu.dma_semaphore, #tpu.memory_space<semaphore_mem>>) src(%dma_wait3A_174 : memref<1024xi32, #tpu.memory_space<hbm>>) dst(%dma_wait3A_173 : memref<1024xi32, #tpu.memory_space<vmem>>)
      %dma_wait3A_175 = arith.constant 2048 : i32
      %dma_wait3A_176 = tpu.memref_slice %arg8[%dma_wait3A_175] : memref<9216xf32, #tpu.memory_space<vmem>> -> memref<1024xf32, #tpu.memory_space<vmem>>
      %dma_wait3A_177 = tpu.memref_slice %arg3[%add3A_36] : memref<144000xf32, #tpu.memory_space<hbm>> -> memref<1024xf32, #tpu.memory_space<hbm>>
      %dma_wait3A_178 = arith.constant 2048 : i32
      %dma_wait3A_179 = tpu.memref_slice %arg8[%dma_wait3A_178] : memref<9216xf32, #tpu.memory_space<vmem>> -> memref<1024xf32, #tpu.memory_space<vmem>>
      %dma_wait3A_180 = tpu.memref_slice %arg3[%add3A_36] : memref<144000xf32, #tpu.memory_space<hbm>> -> memref<1024xf32, #tpu.memory_space<hbm>>
      tpu.wait_dma2 semaphore(%arg12 : memref<!tpu.dma_semaphore, #tpu.memory_space<semaphore_mem>>) src(%dma_wait3A_180 : memref<1024xf32, #tpu.memory_space<hbm>>) dst(%dma_wait3A_179 : memref<1024xf32, #tpu.memory_space<vmem>>)
      %dma_wait3A_181 = arith.constant 3072 : i32
      %dma_wait3A_182 = tpu.memref_slice %arg7[%dma_wait3A_181] : memref<9216xi32, #tpu.memory_space<vmem>> -> memref<1024xi32, #tpu.memory_space<vmem>>
      %dma_wait3A_183 = tpu.memref_slice %arg2[%add3A_50] : memref<144000xi32, #tpu.memory_space<hbm>> -> memref<1024xi32, #tpu.memory_space<hbm>>
      %dma_wait3A_184 = arith.constant 3072 : i32
      %dma_wait3A_185 = tpu.memref_slice %arg7[%dma_wait3A_184] : memref<9216xi32, #tpu.memory_space<vmem>> -> memref<1024xi32, #tpu.memory_space<vmem>>
      %dma_wait3A_186 = tpu.memref_slice %arg2[%add3A_50] : memref<144000xi32, #tpu.memory_space<hbm>> -> memref<1024xi32, #tpu.memory_space<hbm>>
      tpu.wait_dma2 semaphore(%arg12 : memref<!tpu.dma_semaphore, #tpu.memory_space<semaphore_mem>>) src(%dma_wait3A_186 : memref<1024xi32, #tpu.memory_space<hbm>>) dst(%dma_wait3A_185 : memref<1024xi32, #tpu.memory_space<vmem>>)
      %dma_wait3A_187 = arith.constant 3072 : i32
      %dma_wait3A_188 = tpu.memref_slice %arg8[%dma_wait3A_187] : memref<9216xf32, #tpu.memory_space<vmem>> -> memref<1024xf32, #tpu.memory_space<vmem>>
      %dma_wait3A_189 = tpu.memref_slice %arg3[%add3A_50] : memref<144000xf32, #tpu.memory_space<hbm>> -> memref<1024xf32, #tpu.memory_space<hbm>>
      %dma_wait3A_190 = arith.constant 3072 : i32
      %dma_wait3A_191 = tpu.memref_slice %arg8[%dma_wait3A_190] : memref<9216xf32, #tpu.memory_space<vmem>> -> memref<1024xf32, #tpu.memory_space<vmem>>
      %dma_wait3A_192 = tpu.memref_slice %arg3[%add3A_50] : memref<144000xf32, #tpu.memory_space<hbm>> -> memref<1024xf32, #tpu.memory_space<hbm>>
      tpu.wait_dma2 semaphore(%arg12 : memref<!tpu.dma_semaphore, #tpu.memory_space<semaphore_mem>>) src(%dma_wait3A_192 : memref<1024xf32, #tpu.memory_space<hbm>>) dst(%dma_wait3A_191 : memref<1024xf32, #tpu.memory_space<vmem>>)
      %dma_wait3A_193 = arith.constant 4096 : i32
      %dma_wait3A_194 = tpu.memref_slice %arg7[%dma_wait3A_193] : memref<9216xi32, #tpu.memory_space<vmem>> -> memref<1024xi32, #tpu.memory_space<vmem>>
      %dma_wait3A_195 = tpu.memref_slice %arg2[%add3A_64] : memref<144000xi32, #tpu.memory_space<hbm>> -> memref<1024xi32, #tpu.memory_space<hbm>>
      %dma_wait3A_196 = arith.constant 4096 : i32
      %dma_wait3A_197 = tpu.memref_slice %arg7[%dma_wait3A_196] : memref<9216xi32, #tpu.memory_space<vmem>> -> memref<1024xi32, #tpu.memory_space<vmem>>
      %dma_wait3A_198 = tpu.memref_slice %arg2[%add3A_64] : memref<144000xi32, #tpu.memory_space<hbm>> -> memref<1024xi32, #tpu.memory_space<hbm>>
      tpu.wait_dma2 semaphore(%arg12 : memref<!tpu.dma_semaphore, #tpu.memory_space<semaphore_mem>>) src(%dma_wait3A_198 : memref<1024xi32, #tpu.memory_space<hbm>>) dst(%dma_wait3A_197 : memref<1024xi32, #tpu.memory_space<vmem>>)
      %dma_wait3A_199 = arith.constant 4096 : i32
      %dma_wait3A_200 = tpu.memref_slice %arg8[%dma_wait3A_199] : memref<9216xf32, #tpu.memory_space<vmem>> -> memref<1024xf32, #tpu.memory_space<vmem>>
      %dma_wait3A_201 = tpu.memref_slice %arg3[%add3A_64] : memref<144000xf32, #tpu.memory_space<hbm>> -> memref<1024xf32, #tpu.memory_space<hbm>>
      %dma_wait3A_202 = arith.constant 4096 : i32
      %dma_wait3A_203 = tpu.memref_slice %arg8[%dma_wait3A_202] : memref<9216xf32, #tpu.memory_space<vmem>> -> memref<1024xf32, #tpu.memory_space<vmem>>
      %dma_wait3A_204 = tpu.memref_slice %arg3[%add3A_64] : memref<144000xf32, #tpu.memory_space<hbm>> -> memref<1024xf32, #tpu.memory_space<hbm>>
      tpu.wait_dma2 semaphore(%arg12 : memref<!tpu.dma_semaphore, #tpu.memory_space<semaphore_mem>>) src(%dma_wait3A_204 : memref<1024xf32, #tpu.memory_space<hbm>>) dst(%dma_wait3A_203 : memref<1024xf32, #tpu.memory_space<vmem>>)
      %dma_wait3A_205 = arith.constant 5120 : i32
      %dma_wait3A_206 = tpu.memref_slice %arg7[%dma_wait3A_205] : memref<9216xi32, #tpu.memory_space<vmem>> -> memref<1024xi32, #tpu.memory_space<vmem>>
      %dma_wait3A_207 = tpu.memref_slice %arg2[%add3A_78] : memref<144000xi32, #tpu.memory_space<hbm>> -> memref<1024xi32, #tpu.memory_space<hbm>>
      %dma_wait3A_208 = arith.constant 5120 : i32
      %dma_wait3A_209 = tpu.memref_slice %arg7[%dma_wait3A_208] : memref<9216xi32, #tpu.memory_space<vmem>> -> memref<1024xi32, #tpu.memory_space<vmem>>
      %dma_wait3A_210 = tpu.memref_slice %arg2[%add3A_78] : memref<144000xi32, #tpu.memory_space<hbm>> -> memref<1024xi32, #tpu.memory_space<hbm>>
      tpu.wait_dma2 semaphore(%arg12 : memref<!tpu.dma_semaphore, #tpu.memory_space<semaphore_mem>>) src(%dma_wait3A_210 : memref<1024xi32, #tpu.memory_space<hbm>>) dst(%dma_wait3A_209 : memref<1024xi32, #tpu.memory_space<vmem>>)
      %dma_wait3A_211 = arith.constant 5120 : i32
      %dma_wait3A_212 = tpu.memref_slice %arg8[%dma_wait3A_211] : memref<9216xf32, #tpu.memory_space<vmem>> -> memref<1024xf32, #tpu.memory_space<vmem>>
      %dma_wait3A_213 = tpu.memref_slice %arg3[%add3A_78] : memref<144000xf32, #tpu.memory_space<hbm>> -> memref<1024xf32, #tpu.memory_space<hbm>>
      %dma_wait3A_214 = arith.constant 5120 : i32
      %dma_wait3A_215 = tpu.memref_slice %arg8[%dma_wait3A_214] : memref<9216xf32, #tpu.memory_space<vmem>> -> memref<1024xf32, #tpu.memory_space<vmem>>
      %dma_wait3A_216 = tpu.memref_slice %arg3[%add3A_78] : memref<144000xf32, #tpu.memory_space<hbm>> -> memref<1024xf32, #tpu.memory_space<hbm>>
      tpu.wait_dma2 semaphore(%arg12 : memref<!tpu.dma_semaphore, #tpu.memory_space<semaphore_mem>>) src(%dma_wait3A_216 : memref<1024xf32, #tpu.memory_space<hbm>>) dst(%dma_wait3A_215 : memref<1024xf32, #tpu.memory_space<vmem>>)
      %dma_wait3A_217 = arith.constant 6144 : i32
      %dma_wait3A_218 = tpu.memref_slice %arg7[%dma_wait3A_217] : memref<9216xi32, #tpu.memory_space<vmem>> -> memref<1024xi32, #tpu.memory_space<vmem>>
      %dma_wait3A_219 = tpu.memref_slice %arg2[%add3A_92] : memref<144000xi32, #tpu.memory_space<hbm>> -> memref<1024xi32, #tpu.memory_space<hbm>>
      %dma_wait3A_220 = arith.constant 6144 : i32
      %dma_wait3A_221 = tpu.memref_slice %arg7[%dma_wait3A_220] : memref<9216xi32, #tpu.memory_space<vmem>> -> memref<1024xi32, #tpu.memory_space<vmem>>
      %dma_wait3A_222 = tpu.memref_slice %arg2[%add3A_92] : memref<144000xi32, #tpu.memory_space<hbm>> -> memref<1024xi32, #tpu.memory_space<hbm>>
      tpu.wait_dma2 semaphore(%arg12 : memref<!tpu.dma_semaphore, #tpu.memory_space<semaphore_mem>>) src(%dma_wait3A_222 : memref<1024xi32, #tpu.memory_space<hbm>>) dst(%dma_wait3A_221 : memref<1024xi32, #tpu.memory_space<vmem>>)
      %dma_wait3A_223 = arith.constant 6144 : i32
      %dma_wait3A_224 = tpu.memref_slice %arg8[%dma_wait3A_223] : memref<9216xf32, #tpu.memory_space<vmem>> -> memref<1024xf32, #tpu.memory_space<vmem>>
      %dma_wait3A_225 = tpu.memref_slice %arg3[%add3A_92] : memref<144000xf32, #tpu.memory_space<hbm>> -> memref<1024xf32, #tpu.memory_space<hbm>>
      %dma_wait3A_226 = arith.constant 6144 : i32
      %dma_wait3A_227 = tpu.memref_slice %arg8[%dma_wait3A_226] : memref<9216xf32, #tpu.memory_space<vmem>> -> memref<1024xf32, #tpu.memory_space<vmem>>
      %dma_wait3A_228 = tpu.memref_slice %arg3[%add3A_92] : memref<144000xf32, #tpu.memory_space<hbm>> -> memref<1024xf32, #tpu.memory_space<hbm>>
      tpu.wait_dma2 semaphore(%arg12 : memref<!tpu.dma_semaphore, #tpu.memory_space<semaphore_mem>>) src(%dma_wait3A_228 : memref<1024xf32, #tpu.memory_space<hbm>>) dst(%dma_wait3A_227 : memref<1024xf32, #tpu.memory_space<vmem>>)
      %dma_wait3A_229 = arith.constant 7168 : i32
      %dma_wait3A_230 = tpu.memref_slice %arg7[%dma_wait3A_229] : memref<9216xi32, #tpu.memory_space<vmem>> -> memref<1024xi32, #tpu.memory_space<vmem>>
      %dma_wait3A_231 = tpu.memref_slice %arg2[%add3A_106] : memref<144000xi32, #tpu.memory_space<hbm>> -> memref<1024xi32, #tpu.memory_space<hbm>>
      %dma_wait3A_232 = arith.constant 7168 : i32
      %dma_wait3A_233 = tpu.memref_slice %arg7[%dma_wait3A_232] : memref<9216xi32, #tpu.memory_space<vmem>> -> memref<1024xi32, #tpu.memory_space<vmem>>
      %dma_wait3A_234 = tpu.memref_slice %arg2[%add3A_106] : memref<144000xi32, #tpu.memory_space<hbm>> -> memref<1024xi32, #tpu.memory_space<hbm>>
      tpu.wait_dma2 semaphore(%arg12 : memref<!tpu.dma_semaphore, #tpu.memory_space<semaphore_mem>>) src(%dma_wait3A_234 : memref<1024xi32, #tpu.memory_space<hbm>>) dst(%dma_wait3A_233 : memref<1024xi32, #tpu.memory_space<vmem>>)
      %dma_wait3A_235 = arith.constant 7168 : i32
      %dma_wait3A_236 = tpu.memref_slice %arg8[%dma_wait3A_235] : memref<9216xf32, #tpu.memory_space<vmem>> -> memref<1024xf32, #tpu.memory_space<vmem>>
      %dma_wait3A_237 = tpu.memref_slice %arg3[%add3A_106] : memref<144000xf32, #tpu.memory_space<hbm>> -> memref<1024xf32, #tpu.memory_space<hbm>>
      %dma_wait3A_238 = arith.constant 7168 : i32
      %dma_wait3A_239 = tpu.memref_slice %arg8[%dma_wait3A_238] : memref<9216xf32, #tpu.memory_space<vmem>> -> memref<1024xf32, #tpu.memory_space<vmem>>
      %dma_wait3A_240 = tpu.memref_slice %arg3[%add3A_106] : memref<144000xf32, #tpu.memory_space<hbm>> -> memref<1024xf32, #tpu.memory_space<hbm>>
      tpu.wait_dma2 semaphore(%arg12 : memref<!tpu.dma_semaphore, #tpu.memory_space<semaphore_mem>>) src(%dma_wait3A_240 : memref<1024xf32, #tpu.memory_space<hbm>>) dst(%dma_wait3A_239 : memref<1024xf32, #tpu.memory_space<vmem>>)
      %dma_wait3A_241 = arith.constant 8192 : i32
      %dma_wait3A_242 = tpu.memref_slice %arg7[%dma_wait3A_241] : memref<9216xi32, #tpu.memory_space<vmem>> -> memref<1024xi32, #tpu.memory_space<vmem>>
      %dma_wait3A_243 = tpu.memref_slice %arg2[%add3A_120] : memref<144000xi32, #tpu.memory_space<hbm>> -> memref<1024xi32, #tpu.memory_space<hbm>>
      %dma_wait3A_244 = arith.constant 8192 : i32
      %dma_wait3A_245 = tpu.memref_slice %arg7[%dma_wait3A_244] : memref<9216xi32, #tpu.memory_space<vmem>> -> memref<1024xi32, #tpu.memory_space<vmem>>
      %dma_wait3A_246 = tpu.memref_slice %arg2[%add3A_120] : memref<144000xi32, #tpu.memory_space<hbm>> -> memref<1024xi32, #tpu.memory_space<hbm>>
      tpu.wait_dma2 semaphore(%arg12 : memref<!tpu.dma_semaphore, #tpu.memory_space<semaphore_mem>>) src(%dma_wait3A_246 : memref<1024xi32, #tpu.memory_space<hbm>>) dst(%dma_wait3A_245 : memref<1024xi32, #tpu.memory_space<vmem>>)
      %dma_wait3A_247 = arith.constant 8192 : i32
      %dma_wait3A_248 = tpu.memref_slice %arg8[%dma_wait3A_247] : memref<9216xf32, #tpu.memory_space<vmem>> -> memref<1024xf32, #tpu.memory_space<vmem>>
      %dma_wait3A_249 = tpu.memref_slice %arg3[%add3A_120] : memref<144000xf32, #tpu.memory_space<hbm>> -> memref<1024xf32, #tpu.memory_space<hbm>>
      %dma_wait3A_250 = arith.constant 8192 : i32
      %dma_wait3A_251 = tpu.memref_slice %arg8[%dma_wait3A_250] : memref<9216xf32, #tpu.memory_space<vmem>> -> memref<1024xf32, #tpu.memory_space<vmem>>
      %dma_wait3A_252 = tpu.memref_slice %arg3[%add3A_120] : memref<144000xf32, #tpu.memory_space<hbm>> -> memref<1024xf32, #tpu.memory_space<hbm>>
      tpu.wait_dma2 semaphore(%arg12 : memref<!tpu.dma_semaphore, #tpu.memory_space<semaphore_mem>>) src(%dma_wait3A_252 : memref<1024xf32, #tpu.memory_space<hbm>>) dst(%dma_wait3A_251 : memref<1024xf32, #tpu.memory_space<vmem>>)
      %add3A_253 = arith.constant 0 : i32
      %add3A_254 = arith.addi %add3A_253, %select_n3A : i32
      %multiple_of3A = tpu.assume_multiple %add3A_254, 8 : i32
      "tpu.region"() ({
        %run_scoped3A = tpu.sem_alloc : memref<!tpu.dma_semaphore, #tpu.memory_space<semaphore_mem>>
        %dma_start3A_273 = tpu.memref_slice %arg10[%multiple_of3A] : memref<2048xf32, #tpu.memory_space<vmem_shared>> -> memref<64xf32, #tpu.memory_space<vmem_shared>>
        %dma_start3A_274 = tpu.memref_slice %arg10[%multiple_of3A] : memref<2048xf32, #tpu.memory_space<vmem_shared>> -> memref<64xf32, #tpu.memory_space<vmem_shared>>
        tpu.enqueue_dma source(%arg9 : memref<64xf32, #tpu.memory_space<vmem>>) target(%dma_start3A_274 : memref<64xf32, #tpu.memory_space<vmem_shared>>) target_semaphore(%run_scoped3A : memref<!tpu.dma_semaphore, #tpu.memory_space<semaphore_mem>>)
        %dma_wait3A_275 = tpu.memref_slice %arg10[%multiple_of3A] : memref<2048xf32, #tpu.memory_space<vmem_shared>> -> memref<64xf32, #tpu.memory_space<vmem_shared>>
        %dma_wait3A_276 = tpu.memref_slice %arg10[%multiple_of3A] : memref<2048xf32, #tpu.memory_space<vmem_shared>> -> memref<64xf32, #tpu.memory_space<vmem_shared>>
        tpu.wait_dma2 semaphore(%run_scoped3A : memref<!tpu.dma_semaphore, #tpu.memory_space<semaphore_mem>>) src(%arg9 : memref<64xf32, #tpu.memory_space<vmem>>) dst(%dma_wait3A_276 : memref<64xf32, #tpu.memory_space<vmem_shared>>)
        tpu.yield
      }) : () -> ()
      %barrier3A = arith.constant 0 : index
      tpu.barrier barrier_id(%barrier3A)
      %multiple_of3A_255 = arith.constant 0 : i32
      %multiple_of3A_256 = tpu.assume_multiple %multiple_of3A_255, 8 : i32
      %multiple_of3A_257 = arith.constant 1000 : i32
      %multiple_of3A_258 = tpu.assume_multiple %multiple_of3A_257, 8 : i32
      "tpu.region"() ({
        %run_scoped3A = tpu.sem_alloc : memref<!tpu.dma_semaphore, #tpu.memory_space<semaphore_mem>>
        %dma_start3A_273 = tpu.memref_slice %arg6[%multiple_of3A_258] : memref<10000xf32, #tpu.memory_space<vmem>> -> memref<1000xf32, #tpu.memory_space<vmem>>
        %dma_start3A_274 = tpu.memref_slice %arg10[%multiple_of3A_256] : memref<2048xf32, #tpu.memory_space<vmem_shared>> -> memref<1000xf32, #tpu.memory_space<vmem_shared>>
        %dma_start3A_275 = tpu.memref_slice %arg6[%multiple_of3A_258] : memref<10000xf32, #tpu.memory_space<vmem>> -> memref<1000xf32, #tpu.memory_space<vmem>>
        %dma_start3A_276 = tpu.memref_slice %arg10[%multiple_of3A_256] : memref<2048xf32, #tpu.memory_space<vmem_shared>> -> memref<1000xf32, #tpu.memory_space<vmem_shared>>
        tpu.enqueue_dma source(%dma_start3A_276 : memref<1000xf32, #tpu.memory_space<vmem_shared>>) target(%dma_start3A_275 : memref<1000xf32, #tpu.memory_space<vmem>>) target_semaphore(%run_scoped3A : memref<!tpu.dma_semaphore, #tpu.memory_space<semaphore_mem>>)
        %dma_wait3A_277 = tpu.memref_slice %arg6[%multiple_of3A_258] : memref<10000xf32, #tpu.memory_space<vmem>> -> memref<1000xf32, #tpu.memory_space<vmem>>
        %dma_wait3A_278 = tpu.memref_slice %arg10[%multiple_of3A_256] : memref<2048xf32, #tpu.memory_space<vmem_shared>> -> memref<1000xf32, #tpu.memory_space<vmem_shared>>
        %dma_wait3A_279 = tpu.memref_slice %arg6[%multiple_of3A_258] : memref<10000xf32, #tpu.memory_space<vmem>> -> memref<1000xf32, #tpu.memory_space<vmem>>
        %dma_wait3A_280 = tpu.memref_slice %arg10[%multiple_of3A_256] : memref<2048xf32, #tpu.memory_space<vmem_shared>> -> memref<1000xf32, #tpu.memory_space<vmem_shared>>
        tpu.wait_dma2 semaphore(%run_scoped3A : memref<!tpu.dma_semaphore, #tpu.memory_space<semaphore_mem>>) src(%dma_wait3A_280 : memref<1000xf32, #tpu.memory_space<vmem_shared>>) dst(%dma_wait3A_279 : memref<1000xf32, #tpu.memory_space<vmem>>)
        tpu.yield
      }) : () -> ()
      %scan3A_259 = arith.constant 0 : i32
      %scan3A_260 = arith.constant 1 : i32
      %scan3A_261 = arith.constant 7 : i32
      %scan3A_262 = arith.addi %scan3A_260, %scan3A_261 : i32
      %scan3A_263 = arith.constant 1 : i32
      %scan3A_264 = scf.for %scan3A_273 = %scan3A_260 to %scan3A_262 step %scan3A_263 iter_args(%scan3A_274 = %scan3A_259) -> (i32)  : i32 {
        %scan3A_275 = arith.constant 0 : i32
        %scan3A_276 = arith.constant 0 : i32
        %scan3A_277 = arith.constant 4 : i32
        %scan3A_278 = arith.addi %scan3A_276, %scan3A_277 : i32
        %scan3A_279 = arith.constant 1 : i32
        %scan3A_280 = scf.for %scan3A_295 = %scan3A_276 to %scan3A_278 step %scan3A_279 iter_args(%scan3A_296 = %scan3A_275) -> (i32)  : i32 {
          %mul3A_297 = arith.constant 1024 : i32
          %mul3A_298 = arith.muli %scan3A_273, %mul3A_297 : i32
          %mul3A_299 = arith.constant 256 : i32
          %mul3A_300 = arith.muli %scan3A_295, %mul3A_299 : i32
          %add3A_301 = arith.addi %mul3A_298, %mul3A_300 : i32
          %add3A_302 = vector.broadcast %add3A_301 : i32 to vector<16xi32>
          %add3A_303 = arith.addi %mul3A_150, %add3A_302 : vector<16xi32>
          %broadcast_in_dim3A = arith.constant 0.000000e+00 : f32
          %broadcast_in_dim3A_304 = vector.broadcast %broadcast_in_dim3A : f32 to vector<16xf32>
          %parallel_loop3A = arith.constant 0 : i32
          %parallel_loop3A_305 = arith.constant 16 : i32
          %parallel_loop3A_306 = arith.constant 1 : i32
          %parallel_loop3A_307 = scf.for %parallel_loop3A_320 = %parallel_loop3A to %parallel_loop3A_305 step %parallel_loop3A_306 iter_args(%parallel_loop3A_321 = %broadcast_in_dim3A_304) -> (vector<16xf32>)  : i32 {
            %parallel_loop3A_322 = vector.broadcast %parallel_loop3A_320 : i32 to vector<16xi32>
            %parallel_loop3A_323 = arith.addi %add3A_303, %parallel_loop3A_322 : vector<16xi32>
            %parallel_loop3A_324 = tpu.vector_load_idx %arg7[%parallel_loop3A_323] : memref<9216xi32, #tpu.memory_space<vmem>>[vector<16xi32>], vector<16xi32>,
            %parallel_loop3A_325 = tpu.vector_load_idx %arg8[%parallel_loop3A_323] : memref<9216xf32, #tpu.memory_space<vmem>>[vector<16xi32>], vector<16xf32>,
            %parallel_loop3A_326 = tpu.vector_load_idx %arg6[%parallel_loop3A_324] : memref<10000xf32, #tpu.memory_space<vmem>>[vector<16xi32>], vector<16xf32>,
            %parallel_loop3A_327 = arith.mulf %parallel_loop3A_325, %parallel_loop3A_326 : vector<16xf32>
            %parallel_loop3A_328 = arith.addf %parallel_loop3A_321, %parallel_loop3A_327 : vector<16xf32>
            scf.yield %parallel_loop3A_328 : vector<16xf32>
          } {sc.loop_unroll_factor = 16 : i64, sc.parallel_access}
          %neg3A = arith.constant 0.000000e+00 : f32
          %neg3A_308 = vector.broadcast %neg3A : f32 to vector<16xf32>
          %neg3A_309 = arith.subf %neg3A_308, %parallel_loop3A_307 : vector<16xf32>
          %exp3A = math.exp %neg3A_309 : vector<16xf32>
          %add3A_310 = arith.constant 1.000000e+00 : f32
          %add3A_311 = vector.broadcast %add3A_310 : f32 to vector<16xf32>
          %add3A_312 = arith.addf %add3A_311, %exp3A : vector<16xf32>
          %div3A = arith.constant 1.000000e+00 : f32
          %div3A_313 = vector.broadcast %div3A : f32 to vector<16xf32>
          %div3A_314 = arith.divf %div3A_313, %add3A_312 : vector<16xf32>
          %mul3A_315 = arith.constant 16 : i32
          %mul3A_316 = arith.muli %scan3A_295, %mul3A_315 : i32
          %multiple_of3A_317 = tpu.assume_multiple %mul3A_316, 16 : i32
          %swap3A = arith.index_cast %multiple_of3A_317 : i32 to index
          %swap3A_318 = tpu.vector_load %arg9[%swap3A] {strides = array<i32>} : memref<64xf32, #tpu.memory_space<vmem>>, vector<16xf32>,
          tpu.vector_store %arg9[%swap3A], %div3A_314 {strides = array<i32>} : memref<64xf32, #tpu.memory_space<vmem>>, vector<16xf32>,
          %scan3A_319 = arith.constant 0 : i32
          scf.yield %scan3A_319 : i32
        }
        %scan3A_281 = arith.constant 4 : i32
        %and3A = arith.constant 1 : i32
        %and3A_282 = arith.andi %scan3A_273, %and3A : i32
        %mul3A_283 = arith.constant 1024 : i32
        %mul3A_284 = arith.muli %and3A_282, %mul3A_283 : i32
        %add3A_285 = arith.addi %mul3A_284, %select_n3A : i32
        %multiple_of3A_286 = tpu.assume_multiple %add3A_285, 8 : i32
        "tpu.region"() ({
          %run_scoped3A = tpu.sem_alloc : memref<!tpu.dma_semaphore, #tpu.memory_space<semaphore_mem>>
          %dma_start3A_295 = tpu.memref_slice %arg10[%multiple_of3A_286] : memref<2048xf32, #tpu.memory_space<vmem_shared>> -> memref<64xf32, #tpu.memory_space<vmem_shared>>
          %dma_start3A_296 = tpu.memref_slice %arg10[%multiple_of3A_286] : memref<2048xf32, #tpu.memory_space<vmem_shared>> -> memref<64xf32, #tpu.memory_space<vmem_shared>>
          tpu.enqueue_dma source(%arg9 : memref<64xf32, #tpu.memory_space<vmem>>) target(%dma_start3A_296 : memref<64xf32, #tpu.memory_space<vmem_shared>>) target_semaphore(%run_scoped3A : memref<!tpu.dma_semaphore, #tpu.memory_space<semaphore_mem>>)
          %dma_wait3A_297 = tpu.memref_slice %arg10[%multiple_of3A_286] : memref<2048xf32, #tpu.memory_space<vmem_shared>> -> memref<64xf32, #tpu.memory_space<vmem_shared>>
          %dma_wait3A_298 = tpu.memref_slice %arg10[%multiple_of3A_286] : memref<2048xf32, #tpu.memory_space<vmem_shared>> -> memref<64xf32, #tpu.memory_space<vmem_shared>>
          tpu.wait_dma2 semaphore(%run_scoped3A : memref<!tpu.dma_semaphore, #tpu.memory_space<semaphore_mem>>) src(%arg9 : memref<64xf32, #tpu.memory_space<vmem>>) dst(%dma_wait3A_298 : memref<64xf32, #tpu.memory_space<vmem_shared>>)
          tpu.yield
        }) : () -> ()
        %barrier3A_287 = arith.constant 0 : index
        tpu.barrier barrier_id(%barrier3A_287)
        %multiple_of3A_288 = tpu.assume_multiple %mul3A_284, 8 : i32
        %add3A_289 = arith.constant 1 : i32
        %add3A_290 = arith.addi %scan3A_273, %add3A_289 : i32
        %mul3A_291 = arith.constant 1000 : i32
        %mul3A_292 = arith.muli %add3A_290, %mul3A_291 : i32
        %multiple_of3A_293 = tpu.assume_multiple %mul3A_292, 8 : i32
        "tpu.region"() ({
          %run_scoped3A = tpu.sem_alloc : memref<!tpu.dma_semaphore, #tpu.memory_space<semaphore_mem>>
          %dma_start3A_295 = tpu.memref_slice %arg6[%multiple_of3A_293] : memref<10000xf32, #tpu.memory_space<vmem>> -> memref<1000xf32, #tpu.memory_space<vmem>>
          %dma_start3A_296 = tpu.memref_slice %arg10[%multiple_of3A_288] : memref<2048xf32, #tpu.memory_space<vmem_shared>> -> memref<1000xf32, #tpu.memory_space<vmem_shared>>
          %dma_start3A_297 = tpu.memref_slice %arg6[%multiple_of3A_293] : memref<10000xf32, #tpu.memory_space<vmem>> -> memref<1000xf32, #tpu.memory_space<vmem>>
          %dma_start3A_298 = tpu.memref_slice %arg10[%multiple_of3A_288] : memref<2048xf32, #tpu.memory_space<vmem_shared>> -> memref<1000xf32, #tpu.memory_space<vmem_shared>>
          tpu.enqueue_dma source(%dma_start3A_298 : memref<1000xf32, #tpu.memory_space<vmem_shared>>) target(%dma_start3A_297 : memref<1000xf32, #tpu.memory_space<vmem>>) target_semaphore(%run_scoped3A : memref<!tpu.dma_semaphore, #tpu.memory_space<semaphore_mem>>)
          %dma_wait3A_299 = tpu.memref_slice %arg6[%multiple_of3A_293] : memref<10000xf32, #tpu.memory_space<vmem>> -> memref<1000xf32, #tpu.memory_space<vmem>>
          %dma_wait3A_300 = tpu.memref_slice %arg10[%multiple_of3A_288] : memref<2048xf32, #tpu.memory_space<vmem_shared>> -> memref<1000xf32, #tpu.memory_space<vmem_shared>>
          %dma_wait3A_301 = tpu.memref_slice %arg6[%multiple_of3A_293] : memref<10000xf32, #tpu.memory_space<vmem>> -> memref<1000xf32, #tpu.memory_space<vmem>>
          %dma_wait3A_302 = tpu.memref_slice %arg10[%multiple_of3A_288] : memref<2048xf32, #tpu.memory_space<vmem_shared>> -> memref<1000xf32, #tpu.memory_space<vmem_shared>>
          tpu.wait_dma2 semaphore(%run_scoped3A : memref<!tpu.dma_semaphore, #tpu.memory_space<semaphore_mem>>) src(%dma_wait3A_302 : memref<1000xf32, #tpu.memory_space<vmem_shared>>) dst(%dma_wait3A_301 : memref<1000xf32, #tpu.memory_space<vmem>>)
          tpu.yield
        }) : () -> ()
        %scan3A_294 = arith.constant 0 : i32
        scf.yield %scan3A_294 : i32
      }
      %scan3A_265 = arith.constant 7 : i32
      %scan3A_266 = arith.constant 0 : i32
      %scan3A_267 = arith.constant 0 : i32
      %scan3A_268 = arith.constant 4 : i32
      %scan3A_269 = arith.addi %scan3A_267, %scan3A_268 : i32
      %scan3A_270 = arith.constant 1 : i32
      %scan3A_271 = scf.for %scan3A_273 = %scan3A_267 to %scan3A_269 step %scan3A_270 iter_args(%scan3A_274 = %scan3A_266) -> (i32)  : i32 {
        %mul3A_275 = arith.constant 256 : i32
        %mul3A_276 = arith.muli %scan3A_273, %mul3A_275 : i32
        %add3A_277 = arith.constant 8192 : i32
        %add3A_278 = arith.addi %add3A_277, %mul3A_276 : i32
        %add3A_279 = vector.broadcast %add3A_278 : i32 to vector<16xi32>
        %add3A_280 = arith.addi %mul3A_150, %add3A_279 : vector<16xi32>
        %broadcast_in_dim3A = arith.constant 0.000000e+00 : f32
        %broadcast_in_dim3A_281 = vector.broadcast %broadcast_in_dim3A : f32 to vector<16xf32>
        %parallel_loop3A = arith.constant 0 : i32
        %parallel_loop3A_282 = arith.constant 16 : i32
        %parallel_loop3A_283 = arith.constant 1 : i32
        %parallel_loop3A_284 = scf.for %parallel_loop3A_297 = %parallel_loop3A to %parallel_loop3A_282 step %parallel_loop3A_283 iter_args(%parallel_loop3A_298 = %broadcast_in_dim3A_281) -> (vector<16xf32>)  : i32 {
          %parallel_loop3A_299 = vector.broadcast %parallel_loop3A_297 : i32 to vector<16xi32>
          %parallel_loop3A_300 = arith.addi %add3A_280, %parallel_loop3A_299 : vector<16xi32>
          %parallel_loop3A_301 = tpu.vector_load_idx %arg7[%parallel_loop3A_300] : memref<9216xi32, #tpu.memory_space<vmem>>[vector<16xi32>], vector<16xi32>,
          %parallel_loop3A_302 = tpu.vector_load_idx %arg8[%parallel_loop3A_300] : memref<9216xf32, #tpu.memory_space<vmem>>[vector<16xi32>], vector<16xf32>,
          %parallel_loop3A_303 = tpu.vector_load_idx %arg6[%parallel_loop3A_301] : memref<10000xf32, #tpu.memory_space<vmem>>[vector<16xi32>], vector<16xf32>,
          %parallel_loop3A_304 = arith.mulf %parallel_loop3A_302, %parallel_loop3A_303 : vector<16xf32>
          %parallel_loop3A_305 = arith.addf %parallel_loop3A_298, %parallel_loop3A_304 : vector<16xf32>
          scf.yield %parallel_loop3A_305 : vector<16xf32>
        } {sc.loop_unroll_factor = 16 : i64, sc.parallel_access}
        %neg3A = arith.constant 0.000000e+00 : f32
        %neg3A_285 = vector.broadcast %neg3A : f32 to vector<16xf32>
        %neg3A_286 = arith.subf %neg3A_285, %parallel_loop3A_284 : vector<16xf32>
        %exp3A = math.exp %neg3A_286 : vector<16xf32>
        %add3A_287 = arith.constant 1.000000e+00 : f32
        %add3A_288 = vector.broadcast %add3A_287 : f32 to vector<16xf32>
        %add3A_289 = arith.addf %add3A_288, %exp3A : vector<16xf32>
        %div3A = arith.constant 1.000000e+00 : f32
        %div3A_290 = vector.broadcast %div3A : f32 to vector<16xf32>
        %div3A_291 = arith.divf %div3A_290, %add3A_289 : vector<16xf32>
        %mul3A_292 = arith.constant 16 : i32
        %mul3A_293 = arith.muli %scan3A_273, %mul3A_292 : i32
        %multiple_of3A_294 = tpu.assume_multiple %mul3A_293, 16 : i32
        %swap3A = arith.index_cast %multiple_of3A_294 : i32 to index
        %swap3A_295 = tpu.vector_load %arg9[%swap3A] {strides = array<i32>} : memref<64xf32, #tpu.memory_space<vmem>>, vector<16xf32>,
        tpu.vector_store %arg9[%swap3A], %div3A_291 {strides = array<i32>} : memref<64xf32, #tpu.memory_space<vmem>>, vector<16xf32>,
        %scan3A_296 = arith.constant 0 : i32
        scf.yield %scan3A_296 : i32
      }
      %scan3A_272 = arith.constant 4 : i32
      "tpu.region"() ({
        %run_scoped3A = tpu.sem_alloc : memref<!tpu.dma_semaphore, #tpu.memory_space<semaphore_mem>>
        %dma_start3A_273 = tpu.memref_slice %arg5[%select_n3A] : memref<1000xf32, #tpu.memory_space<hbm>> -> memref<64xf32, #tpu.memory_space<hbm>>
        %dma_start3A_274 = tpu.memref_slice %arg5[%select_n3A] : memref<1000xf32, #tpu.memory_space<hbm>> -> memref<64xf32, #tpu.memory_space<hbm>>
        tpu.enqueue_dma source(%arg9 : memref<64xf32, #tpu.memory_space<vmem>>) target(%dma_start3A_274 : memref<64xf32, #tpu.memory_space<hbm>>) target_semaphore(%run_scoped3A : memref<!tpu.dma_semaphore, #tpu.memory_space<semaphore_mem>>)
        %dma_wait3A_275 = tpu.memref_slice %arg5[%select_n3A] : memref<1000xf32, #tpu.memory_space<hbm>> -> memref<64xf32, #tpu.memory_space<hbm>>
        %dma_wait3A_276 = tpu.memref_slice %arg5[%select_n3A] : memref<1000xf32, #tpu.memory_space<hbm>> -> memref<64xf32, #tpu.memory_space<hbm>>
        tpu.wait_dma2 semaphore(%run_scoped3A : memref<!tpu.dma_semaphore, #tpu.memory_space<semaphore_mem>>) src(%arg9 : memref<64xf32, #tpu.memory_space<vmem>>) dst(%dma_wait3A_276 : memref<64xf32, #tpu.memory_space<hbm>>)
        tpu.yield
      }) : () -> ()
    } else {
    }
    return
  }
}

</mosaic_0001>

<sc_bundles>
// kernel: _run_net.3.cloned.1.call-start
scs
__scs_entry_jumppad:
0x0: {  	(pc) =	sbr.rel $0x88, $3  }
0x1: {  	(tag) =	ssettag $0x0;
	lr =	simm.s32 $0x1  }
0x2: {  	[smem:$0x3F9E] =	sst lr;
	_ =	strace $0xD0000000  }
0x3: {  	_ = 	snop  }
0x4: {  	_ = 	snop  }
0x5: {  	_ = 	snop  }
0x6: {  	_ = 	snop  }
0x7: {  	_ = 	snop  }
__scs_overlays_trampoline_lowered:
0x8: {  	[smem:$0x3FAD] =	sst s0  }
0x9: {  	[smem:$0x3FAE] =	sst s1  }
0xa: {  	[smem:$0x3FAF] =	sst s2  }
0xb: {  	[smem:$0x3FB0] =	sst s3  }
0xc: {  	[smem:$0x3FB1] =	sst s4  }
0xd: {  	[smem:$0x3FB2] =	sst s5  }
0xe: {  	[smem:$0x3FB3] =	sst s6  }
0xf: {  	[smem:$0x3FB4] =	sst s7  }
0x10: {  	[smem:$0x3FB5] =	sst s8  }
0x11: {  	[smem:$0x3FB6] =	sst s9;
	s0 =	simm.s32 @!p0 $0x0  }
0x12: {  	s1 =	sld [smem:$0x3F9C];
	s0 =	simm.s32 @p0 $0x1  }
0x13: {  	[smem:$0x3FB7] =	sst s0;
	s0 =	simm.s32 @!p1 $0x0  }
0x14: {  	s2 =	sld [smem:$0x3F9B];
	s0 =	simm.s32 @p1 $0x1  }
0x15: {  	[smem:$0x3FB8] =	sst s0;
	s0 =	simm.s32 @!p2 $0x0  }
0x16: {  	s3 =	sld [smem:$0x3FDB];
	s0 =	simm.s32 @p2 $0x1  }
0x17: {  	s4 =	simm.s32 $0x1BF5;
	[smem:$0x3FBA] =	sst s0  }
0x18: {  	s0 =	sld [smem:$0x3F9D];
	_ =	swait.ge [sflag:s4], $0x0  }
0x19: {  	s7 =	sld [smem:$0x3F9E]  }
0x1a: {  	s8 =	sadd.s32 $0xFFFFE003, lr  }
0x1b: {  	s9 =	sadd.s32 $0xFFFFFEF7, lr;
	s5 =	simm.s32 $0xFFFFFFFF;
	p2 =	slt.u32 s8, $0xFFFFF086  }
0x1c: {  	p1 =	slt.u32 s9, $0xF7A;
	s5 =	simm.s32 @!p2 $0x0  }
0x1d: {  	s5 =	simm.s32 @p1 $0x1;
	p0 =	seq.s32 s7, s2  }
0x1e: {  	s7 =	smul.u32 @!p0 $0xF7A, s2;
	p2 =	seq.s32 @!p0 s5, $0x0  }
0x1f: {  	s9 =	smul.u32 $0xF7A, s1;
	s8 =	simm.s32 @!p0 $0x1BF5;
	p2 =	por !p2, p0  }
0x20: {  	[sflag:s8] =	ssyncset.s32 @!p0 $0xFFFFF086;
	s6 =	sadd.s32 @!p0 s3, s7;
	s7 =	simm.s32 @!p0 $0x108  }
0x21: {  	s3 =	sadd.s32 s3, s9;
	s6 =	sadd.s32 @!p0 $0x88, s6;
	s7 =	simm.s32 @p2 $0x1082  }
0x22: {  	[simem:s7], [sflag:s8] =	dma.local @!p0 [hbm:s6], $0xF7A  }
0x23: {  	s9 =	sor.u32 $0xD0000000, s2;
	s6 =	simm.s32 $0x108;
	_ =	swait.ge @!p0 [sflag:s8], $0x0  }
0x24: {  	s3 =	sadd.s32 $0x88, s3;
	s6 =	simm.s32 @!p1 $0x1082;
	[sflag:s4] =	ssyncset.s32 $0xFFFFF086  }
0x25: {  	[simem:s6], [sflag:s4] =	dma.local [hbm:s3], $0xF7A  }
0x26: {  	[smem:$0x3F9E] =	sst s1;
	(tag) =	ssettag s2;
	_ =	strace s9  }
0x27: {  	s1 =	sld [smem:$0x3FAE]  }
0x28: {  	s2 =	sld [smem:$0x3FAF]  }
0x29: {  	s4 =	sld [smem:$0x3FB1]  }
0x2a: {  	p0 =	seq.s32 s5, $0x0;
	s5 =	sld [smem:$0x3FB2]  }
0x2b: {  	s6 =	sld [smem:$0x3FB3]  }
0x2c: {  	s7 =	sld [smem:$0x3FB4]  }
0x2d: {  	s3 =	simm.s32 $0x108;
	s8 =	sld [smem:$0x3FB5]  }
0x2e: {  	s3 =	simm.s32 @!p0 $0x1082;
	s9 =	sld [smem:$0x3FB6]  }
0x2f: {  	lr =	sadd.s32 s0, s3;
	s0 =	sld [smem:$0x3FAD]  }
0x30: {  	s3 =	sld [smem:$0x3FB0]  }
0x31: {  	[smem:$0x3FB9] =	sst s10  }
0x32: {  	s10 =	sld [smem:$0x3FB7];
	_ =	sdelay $0x3  }
0x33: {  	p0 =	seq.s32 s10, $0x1;
	s10 =	sld [smem:$0x3FB9];
	_ =	sdelay $0x3  }
0x34: {  	[smem:$0x3FB9] =	sst s10  }
0x35: {  	s10 =	sld [smem:$0x3FB8];
	_ =	sdelay $0x3  }
0x36: {  	p1 =	seq.s32 s10, $0x1;
	s10 =	sld [smem:$0x3FB9];
	_ =	sdelay $0x3  }
0x37: {  	[smem:$0x3FB9] =	sst s10  }
0x38: {  	s10 =	sld [smem:$0x3FBA]  }
0x39: {  	_ = 	snop;
	(pc) =	sbr.ind lr, $3  }
0x3a: {  	_ = 	snop  }
0x3b: {  	_ = 	snop  }
0x3c: {  	p2 =	seq.s32 s10, $0x1;
	s10 =	sld [smem:$0x3FB9]  }
0x3d: {  	_ =	shalt  }
0x3e: {  	_ =	shalt  }
0x3f: {  	_ =	shalt  }
0x40: {  	_ =	shalt  }
0x41: {  	_ =	shalt  }
0x42: {  	_ =	shalt  }
0x43: {  	_ =	shalt  }
0x44: {  	_ =	shalt  }
0x45: {  	_ =	shalt  }
0x46: {  	_ =	shalt  }
0x47: {  	_ =	shalt  }
0x48: {  	_ =	shalt  }
0x49: {  	_ =	shalt  }
0x4a: {  	_ =	shalt  }
0x4b: {  	_ =	shalt  }
0x4c: {  	_ =	shalt  }
0x4d: {  	_ =	shalt  }
0x4e: {  	_ =	shalt  }
0x4f: {  	_ =	shalt  }
0x50: {  	_ =	shalt  }
0x51: {  	_ =	shalt  }
0x52: {  	_ =	shalt  }
0x53: {  	_ =	shalt  }
0x54: {  	_ =	shalt  }
0x55: {  	_ =	shalt  }
0x56: {  	_ =	shalt  }
0x57: {  	_ =	shalt  }
0x58: {  	_ =	shalt  }
0x59: {  	_ =	shalt  }
0x5a: {  	_ =	shalt  }
0x5b: {  	_ =	shalt  }
0x5c: {  	_ =	shalt  }
0x5d: {  	_ =	shalt  }
0x5e: {  	_ =	shalt  }
0x5f: {  	_ =	shalt  }
0x60: {  	_ =	shalt  }
0x61: {  	_ =	shalt  }
0x62: {  	_ =	shalt  }
0x63: {  	_ =	shalt  }
0x64: {  	_ =	shalt  }
0x65: {  	_ =	shalt  }
0x66: {  	_ =	shalt  }
0x67: {  	_ =	shalt  }
0x68: {  	_ =	shalt  }
0x69: {  	_ =	shalt  }
0x6a: {  	_ =	shalt  }
0x6b: {  	_ =	shalt  }
0x6c: {  	_ =	shalt  }
0x6d: {  	_ =	shalt  }
0x6e: {  	_ =	shalt  }
0x6f: {  	_ =	shalt  }
0x70: {  	_ =	shalt  }
0x71: {  	_ =	shalt  }
0x72: {  	_ =	shalt  }
0x73: {  	_ =	shalt  }
0x74: {  	_ =	shalt  }
0x75: {  	_ =	shalt  }
0x76: {  	_ =	shalt  }
0x77: {  	_ =	shalt  }
0x78: {  	_ =	shalt  }
0x79: {  	_ =	shalt  }
0x7a: {  	_ =	shalt  }
0x7b: {  	_ =	shalt  }
0x7c: {  	_ =	shalt  }
0x7d: {  	_ =	shalt  }
0x7e: {  	_ =	shalt  }
0x7f: {  	_ =	shalt  }
0x80: {  	_ =	shalt  }
0x81: {  	_ =	shalt  }
0x82: {  	_ =	shalt  }
0x83: {  	_ =	shalt  }
0x84: {  	_ =	shalt  }
0x85: {  	_ =	shalt  }
0x86: {  	_ =	shalt  }
0x87: {  	_ =	shalt  }
.Lfunc_end0:
.L_simem_size_0:
called_computation_lowered:
.L_overlay_start_0:
0x88: {  	s0 =	sld [smem:$0x3FD9]  }
0x89: {  	s1 =	sld [smem:$0x3FFE];
	_ =	sdelay $0x3  }
0x8a: {  	s0 =	sadd.s32 s1, s0  }
0x8b: {  	[smem:$0x3FC5] =	sst s0  }
0x8c: {  	_ = 	snop  }
0x8d: {  	s0 =	sld [smem:$0x3FC9]  }
0x8e: {  	s17 =	sld [smem:$0x3FC8]  }
0x8f: {  	s2 =	sld [smem:$0x3FC7]  }
0x90: {  	s3 =	sld [smem:$0x3FD0];
	(tm) =	ssettm $0x1  }
0x91: {  	s4 =	sld [smem:$0x3FFB];
	_ =	sdelay $0x3  }
0x92: {  	_ =	strace s4  }
0x93: {  	s4 =	sld [smem:$0x3FFC];
	_ =	sdelay $0x3  }
0x94: {  	_ =	strace s4  }
0x95: {  	s4 =	sld [smem:$0x3FFD];
	_ =	sdelay $0x3  }
0x96: {  	_ =	strace s4  }
0x97: {  	_ =	strace $0x8FFFFFFF  }
0x98: {  	s18 =	sld [smem:$0x3FDB];
	_ =	sdelay $0x1  }
0x99: {  	s5 =	simm.s32 $_scs_section_size  }
0x9a: {  	s6 =	simm.s32 $_size__tile_overlayer_lowered;
	s7 =	simm.s32 $_tile_overlayer_lowered  }
0x9b: {  	s21 =	simm.s32 $0x1BFF;
	s20 =	sshll.u32 s7, $0x1;
	s4 =	sadd.s32 s5, s18  }
0x9c: {  	s8 =	simm.s32 $0x0;
	s19 =	sshll.u32 s6, $0x1;
	s6 =	sadd.s32 s20, s4  }
0x9d: {  	[timem:s8], [sflag:s21] =	dma.local [hbm:s6], s19  }
0x9e: {  	_ =	swait.ge [sflag:s21], s19  }
0x9f: {  	s5 =	ssub.s32 $0x0, s19;
	[sflag:s21] =	ssyncset.done $0x0  }
0xa0: {  	[sflag:s21] =	ssyncadd.s32 s5;
	_ =	sdelay $0x1  }
0xa1: {  	s22 =	simm.s32 $0x1B8B  }
0xa2: {  	_ =	swait.ge [sflag:s22], $0x1  }
0xa3: {  	[sflag:s22] =	ssyncset.done $0x0  }
0xa4: {  	s23 =	simm.s32 $0x1B8E;
	[sflag:s22] =	ssyncadd.s32 $0xFFFFFFFF  }
0xa5: {  	s24 =	simm.s32 $execute0_lowered;
	[smem:$0x3FD2] =	sst s23  }
0xa6: {  	s5 =	sshll.u32 s24, $0x1;
	_ =	strace $0x80000046;
	[dreg:$0x1] =	wrdreg $0xFFFFFFFF  }
0xa7: {  	s25 =	simm.s32 $_size_execute0_lowered;
	s4 =	sadd.s32 s4, s5;
	[dreg:$0x0] =	wrdreg $0x0  }
0xa8: {  	s5 =	sshll.u32 s25, $0x1;
	[dreg:$0x2] =	wrdreg s4  }
0xa9: {  	[dreg:$0x3] =	wrdreg s5  }
0xaa: {  	[dreg:$0x4] =	wrdreg $0xC0  }
0xab: {  	_ =	task [dreg:s8], $0x5FFFF  }
0xac: {  	[dreg:$0x1] =	wrdreg $0xFFFFFFFF  }
0xad: {  	[dreg:$0x0] =	wrdreg $0x60  }
0xae: {  	[dreg:$0x2] =	wrdreg s0  }
0xaf: {  	[dreg:$0x3] =	wrdreg s17  }
0xb0: {  	[dreg:$0x4] =	wrdreg s2  }
0xb1: {  	[dreg:$0x5] =	wrdreg s3  }
0xb2: {  	[dreg:$0x6] =	wrdreg $0x70000  }
0xb3: {  	[dreg:$0x7] =	wrdreg $0x9  }
0xb4: {  	_ =	task.clear_ibuf [dreg:s8], $0x8FFFF;
	_ =	strace $0x90000046  }
0xb5: {  	s26 =	simm.s32 $0x9;
	_ =	strace $0x80000048  }
0xb6: {  	_ =	swait.ge [sflag:s26], $0x1  }
0xb7: {  	[sflag:s26] =	ssyncadd.s32 $0xFFFFFFFF  }
0xb8: {  	_ =	strace $0x90000048  }
0xb9: {  	_ =	sfence  }
0xba: {  	s28 =	sld [smem:$0x0];
	_ =	sdelay $0x1  }
0xbb: {  	s29 =	srdreg.scid  }
0xbc: {  	s30 =	sshll.u32 s29, $0xD;
	s31 =	sshrl.u32 s29, $0x2  }
0xbd: {  	s1 =	sand.u32 $0x1, s29;
	s2 =	sand.u32 $0x4000, s30;
	s0 =	sadd.s32 s31, s28  }
0xbe: {  	s1 =	sor.u32 s2, s1;
	s0 =	sshll.u32 s0, $0x11  }
0xbf: {  	s0 =	sor.u32 s0, s1  }
0xc0: {  	s0 =	sadd.s32 $0x8F2B, s0  }
0xc1: {  	[sflag:s0] =	ssyncadd.remote.s32 $0x1  }
0xc2: {  	_ =	sfence.sel $0xFFFF  }
0xc3: {  	[dreg:$0x0] =	wrdreg $0xFFFFFFFF;
	(pc) =	sbr.abs _section_cstart, $3  }
0xc4: {  	[dreg:$0x1] =	wrdreg $0xFFFFFFFF  }
0xc5: {  	_ =	task.clear_ibuf [dreg:s8], $0x2FFFF;
	_ =	strace $0x9FFFFFFF  }
0xc6: {  	(tm) =	ssettm $0x7FFFFFFF  }
0xc7: {  	_ =	shalt  }
tec
execute0_lowered:
.L_overlay_start_1:
0x0: {  	(tag) =	ssettag $0x1  }
0x1: {  	s9 =	rddreg [dreg:$0x0]  }
0x2: {  	s8 =	rddreg [dreg:$0x1]  }
0x3: {  	s10 =	rddreg [dreg:$0x2]  }
0x4: {  	s2 =	rddreg [dreg:$0x3];
	s0 =	stileid.u32  }
0x5: {  	s4 =	rddreg [dreg:$0x4];
	p0 =	seq.s32 s0, $0xF;
	s3 =	sshll.u32 s0, $0x6  }
0x6: {  	s1 =	rddreg [dreg:$0x5];
	s5 =	simm.s32 $0x0;
	s3 =	simm.s32 @p0 $0x3A8  }
0x7: {  	[smem:$0x7FF] =	sst s5;
	s11 =	sshll.u32 s3, $0x1  }
0x8: {  	s7 =	simm.s32 $0x2780;
	_ =	strace $0x80000047;
	s6 =	sadd.s32 s9, s11  }
0x9: {  	[tilespmem:s7], [sflag:$0x1] =	stream.linear.gather [hbm4b:s6+s5], $0x400, $0x38;
	[tilespmem:$0x7080] =	vst v63  }
0xa: {  	s12 =	sadd.s32 s8, s11;
	s6 =	simm.s32 $0x4B80  }
0xb: {  	[tilespmem:s6], [sflag:$0x1] =	stream.linear.gather [hbm4b:s12+s5], $0x400, $0x38;
	[tilespmem:$0x7080] =	vst v63  }
0xc: {  	s30 =	sadd.s32 $0x7D0, s11  }
0xd: {  	[tilespmem:s5], [sflag:$0x1] =	stream.linear.gather [hbm4b:s10+s5], $0x3E8, $0x38;
	[tilespmem:$0x7080] =	vst v63  }
0xe: {  	s13 =	simm.s32 $0x2B80;
	s31 =	sadd.s32 s9, s30  }
0xf: {  	[tilespmem:s13], [sflag:$0x2] =	stream.linear.gather [hbm4b:s31+s5], $0x400, $0x38;
	[tilespmem:$0x7080] =	vst v63  }
0x10: {  	s15 =	simm.s32 $0x4F80;
	s14 =	sadd.s32 $0xFA0, s11;
	s13 =	sadd.s32 s8, s30  }
0x11: {  	[tilespmem:s15], [sflag:$0x2] =	stream.linear.gather [hbm4b:s13+s5], $0x400, $0x38;
	[tilespmem:$0x7080] =	vst v63  }
0x12: {  	s17 =	simm.s32 $0x2F80;
	s16 =	sadd.s32 s9, s14  }
0x13: {  	[tilespmem:s17], [sflag:$0x2] =	stream.linear.gather [hbm4b:s16+s5], $0x400, $0x38;
	[tilespmem:$0x7080] =	vst v63  }
0x14: {  	s20 =	simm.s32 $0x5380;
	s19 =	sadd.s32 $0x1770, s11;
	s18 =	sadd.s32 s8, s14  }
0x15: {  	[tilespmem:s20], [sflag:$0x2] =	stream.linear.gather [hbm4b:s18+s5], $0x400, $0x38;
	[tilespmem:$0x7080] =	vst v63  }
0x16: {  	s22 =	simm.s32 $0x3380;
	s21 =	sadd.s32 s9, s19  }
0x17: {  	[tilespmem:s22], [sflag:$0x2] =	stream.linear.gather [hbm4b:s21+s5], $0x400, $0x38;
	[tilespmem:$0x7080] =	vst v63  }
0x18: {  	s25 =	simm.s32 $0x5780;
	s24 =	sadd.s32 $0x1F40, s11;
	s23 =	sadd.s32 s8, s19  }
0x19: {  	[tilespmem:s25], [sflag:$0x2] =	stream.linear.gather [hbm4b:s23+s5], $0x400, $0x38;
	[tilespmem:$0x7080] =	vst v63  }
0x1a: {  	s28 =	simm.s32 $0x3780;
	s26 =	sadd.s32 s9, s24  }
0x1b: {  	[tilespmem:s28], [sflag:$0x2] =	stream.linear.gather [hbm4b:s26+s5], $0x400, $0x38;
	[tilespmem:$0x7080] =	vst v63  }
0x1c: {  	s29 =	sadd.s32 s8, s24;
	s30 =	sadd.s32 $0x2710, s11;
	s31 =	simm.s32 $0x5B80  }
0x1d: {  	[tilespmem:s31], [sflag:$0x2] =	stream.linear.gather [hbm4b:s29+s5], $0x400, $0x38;
	[tilespmem:$0x7080] =	vst v63  }
0x1e: {  	s14 =	sadd.s32 s9, s30;
	s15 =	simm.s32 $0x3B80  }
0x1f: {  	[tilespmem:s15], [sflag:$0x2] =	stream.linear.gather [hbm4b:s14+s5], $0x400, $0x38;
	[tilespmem:$0x7080] =	vst v63  }
0x20: {  	s16 =	sadd.s32 s8, s30;
	s17 =	sadd.s32 $0x2EE0, s11;
	s18 =	simm.s32 $0x5F80  }
0x21: {  	[tilespmem:s18], [sflag:$0x2] =	stream.linear.gather [hbm4b:s16+s5], $0x400, $0x38;
	[tilespmem:$0x7080] =	vst v63  }
0x22: {  	s19 =	sadd.s32 s9, s17;
	s20 =	simm.s32 $0x3F80  }
0x23: {  	[tilespmem:s20], [sflag:$0x2] =	stream.linear.gather [hbm4b:s19+s5], $0x400, $0x38;
	[tilespmem:$0x7080] =	vst v63  }
0x24: {  	s21 =	sadd.s32 s8, s17;
	s22 =	sadd.s32 $0x36B0, s11;
	s23 =	simm.s32 $0x6380  }
0x25: {  	[tilespmem:s23], [sflag:$0x2] =	stream.linear.gather [hbm4b:s21+s5], $0x400, $0x38;
	[tilespmem:$0x7080] =	vst v63  }
0x26: {  	s24 =	sadd.s32 s9, s22;
	s25 =	simm.s32 $0x4380  }
0x27: {  	[tilespmem:s25], [sflag:$0x2] =	stream.linear.gather [hbm4b:s24+s5], $0x400, $0x38;
	[tilespmem:$0x7080] =	vst v63  }
0x28: {  	s11 =	sadd.s32 $0x3E80, s11;
	s26 =	sadd.s32 s8, s22;
	s28 =	simm.s32 $0x6780  }
0x29: {  	[tilespmem:s28], [sflag:$0x2] =	stream.linear.gather [hbm4b:s26+s5], $0x400, $0x38;
	[tilespmem:$0x7080] =	vst v63  }
0x2a: {  	s9 =	sadd.s32 s9, s11;
	s29 =	simm.s32 $0x4780  }
0x2b: {  	[tilespmem:s29], [sflag:$0x2] =	stream.linear.gather [hbm4b:s9+s5], $0x400, $0x38;
	[tilespmem:$0x7080] =	vst v63  }
0x2c: {  	s30 =	simm.s32 $0x6B80;
	s8 =	sadd.s32 s8, s11;
	s31 =	simm.s32 $0x1  }
0x2d: {  	[tilespmem:s30], [sflag:$0x2] =	stream.linear.gather [hbm4b:s8+s5], $0x400, $0x38;
	[tilespmem:$0x7080] =	vst v63  }
0x2e: {  	v7 =	vlaneseq.u32;
	_ =	swait.ge [sflag:s31], $0x400  }
0x2f: {  	v0 =	vmul.u32 $0x10, v7;
	[sflag:s31] =	ssyncset.done $0x0  }
0x30: {  	[sflag:s31] =	ssyncadd.s32 $0xFFFFFC00  }
0x31: {  	v1 =	vor.u32 $0xF, v0;
	_ =	swait.ge [sflag:s31], $0x400  }
0x32: {  	v2 =	vor.u32 $0xE, v0;
	v17 =	vor.u32 s5, v1;
	[sflag:s31] =	ssyncset.done $0x0  }
0x33: {  	v3 =	vor.u32 $0xD, v0;
	v18 =	vor.u32 s5, v2;
	[sflag:s31] =	ssyncadd.s32 $0xFFFFFC00  }
0x34: {  	v4 =	vor.u32 $0xC, v0;
	v19 =	vor.u32 s5, v3;
	_ =	swait.ge [sflag:s31], $0x3E8  }
0x35: {  	v5 =	vor.u32 $0xB, v0;
	v20 =	vor.u32 s5, v4;
	[sflag:s31] =	ssyncset.done $0x0  }
0x36: {  	v6 =	vor.u32 $0xA, v0;
	v21 =	vor.u32 s5, v5;
	[sflag:s31] =	ssyncadd.s32 $0xFFFFFC18  }
0x37: {  	v8 =	vand.u32 $0x7, v7;
	v7 =	vor.u32 $0x9, v0;
	v22 =	vor.u32 s5, v6;
	v23 =	vld.idx.msk [tilespmem:v17+s7+$0x0], $0xffff  }
0x38: {  	v10 =	vmul.u32 $0x10, v8;
	v8 =	vor.u32 $0x8, v0;
	v24 =	vor.u32 s5, v7;
	v25 =	vld.idx.msk [tilespmem:v18+s7+$0x0], $0xffff  }
0x39: {  	v9 =	vor.u32 $0x7, v0;
	v26 =	vor.u32 s5, v8;
	v27 =	vld.idx.msk [tilespmem:v19+s7+$0x0], $0xffff  }
0x3a: {  	v12 =	vor.u32 s5, v0;
	v10 =	vor.u32 $0xFFFFFF80, v10;
	v28 =	vor.u32 s5, v9;
	v29 =	vld.idx.msk [tilespmem:v20+s7+$0x0], $0xffff  }
0x3b: {  	v11 =	vor.u32 $0x6, v0;
	v30 =	vand.u32 v10, v12;
	v31 =	vld.idx.msk [tilespmem:v21+s7+$0x0], $0xffff  }
0x3c: {  	v32 =	vor.u32 s5, v11;
	v12 =	vor.u32 $0x1, v0;
	v33 =	vld.idx.msk [tilespmem:v22+s7+$0x0], $0xffff  }
0x3d: {  	v13 =	vor.u32 $0x5, v0;
	v34 =	vor.u32 s5, v12;
	v35 =	vld.idx.msk [tilespmem:v24+s7+$0x0], $0xffff  }
0x3e: {  	v14 =	vor.u32 $0x2, v0;
	v36 =	vor.u32 s5, v13;
	v37 =	vld.idx.msk [tilespmem:v26+s7+$0x0], $0xffff  }
0x3f: {  	v15 =	vor.u32 $0x4, v0;
	v38 =	vor.u32 s5, v14;
	v39 =	vld.idx.msk [tilespmem:v28+s7+$0x0], $0xffff  }
0x40: {  	v16 =	vor.u32 $0x3, v0;
	v41 =	vor.u32 s5, v15;
	v40 =	vld.idx.msk [tilespmem:v30+s7+$0x0], $0xffff  }
0x41: {  	v42 =	vor.u32 s5, v16;
	v43 =	vld.idx.msk [tilespmem:v32+s7+$0x0], $0xffff  }
0x42: {  	v44 =	vld.idx.msk [tilespmem:v34+s7+$0x0], $0xffff  }
0x43: {  	v45 =	vld.idx.msk [tilespmem:v36+s7+$0x0], $0xffff  }
0x44: {  	v46 =	vld.idx.msk [tilespmem:v38+s7+$0x0], $0xffff  }
0x45: {  	v47 =	vld.idx.msk [tilespmem:v41+s7+$0x0], $0xffff  }
0x46: {  	v48 =	vld.idx.msk [tilespmem:v42+s7+$0x0], $0xffff  }
0x47: {  	v30 =	vld.idx.msk [tilespmem:v30+s6+$0x0], $0xffff  }
0x48: {  	v40 =	vld.idx.msk [tilespmem:v40+s5+$0x0], $0xffff  }
0x49: {  	v34 =	vld.idx.msk [tilespmem:v34+s6+$0x0], $0xffff  }
0x4a: {  	v44 =	vld.idx.msk [tilespmem:v44+s5+$0x0], $0xffff  }
0x4b: {  	v38 =	vld.idx.msk [tilespmem:v38+s6+$0x0], $0xffff  }
0x4c: {  	v46 =	vld.idx.msk [tilespmem:v46+s5+$0x0], $0xffff  }
0x4d: {  	v42 =	vld.idx.msk [tilespmem:v42+s6+$0x0], $0xffff;
	v30 =	vmul.f32 v40, v30  }
0x4e: {  	v53 =	vld.idx.msk [tilespmem:v48+s5+$0x0], $0xffff  }
0x4f: {  	v41 =	vld.idx.msk [tilespmem:v41+s6+$0x0], $0xffff;
	v34 =	vmul.f32 v44, v34;
	v30 =	vadd.f32 $0.0e+00, v30  }
0x50: {  	v54 =	vld.idx.msk [tilespmem:v47+s5+$0x0], $0xffff  }
0x51: {  	v36 =	vld.idx.msk [tilespmem:v36+s6+$0x0], $0xffff;
	v55 =	vmul.f32 v46, v38;
	v30 =	vadd.f32 v34, v30  }
0x52: {  	v56 =	vld.idx.msk [tilespmem:v45+s5+$0x0], $0xffff  }
0x53: {  	v32 =	vld.idx.msk [tilespmem:v32+s6+$0x0], $0xffff;
	v57 =	vmul.f32 v53, v42;
	v30 =	vadd.f32 v55, v30  }
0x54: {  	v58 =	vld.idx.msk [tilespmem:v43+s5+$0x0], $0xffff  }
0x55: {  	v28 =	vld.idx.msk [tilespmem:v28+s6+$0x0], $0xffff;
	v59 =	vmul.f32 v54, v41;
	v30 =	vadd.f32 v57, v30  }
0x56: {  	v39 =	vld.idx.msk [tilespmem:v39+s5+$0x0], $0xffff  }
0x57: {  	v26 =	vld.idx.msk [tilespmem:v26+s6+$0x0], $0xffff;
	v60 =	vmul.f32 v56, v36;
	v30 =	vadd.f32 v59, v30  }
0x58: {  	v61 =	vld.idx.msk [tilespmem:v37+s5+$0x0], $0xffff  }
0x59: {  	v24 =	vld.idx.msk [tilespmem:v24+s6+$0x0], $0xffff;
	v32 =	vmul.f32 v58, v32;
	v30 =	vadd.f32 v60, v30  }
0x5a: {  	v62 =	vld.idx.msk [tilespmem:v35+s5+$0x0], $0xffff  }
0x5b: {  	v22 =	vld.idx.msk [tilespmem:v22+s6+$0x0], $0xffff;
	v28 =	vmul.f32 v39, v28;
	v30 =	vadd.f32 v32, v30  }
0x5c: {  	v63 =	vld.idx.msk [tilespmem:v33+s5+$0x0], $0xffff  }
0x5d: {  	v21 =	vld.idx.msk [tilespmem:v21+s6+$0x0], $0xffff;
	v26 =	vmul.f32 v61, v26;
	v28 =	vadd.f32 v28, v30  }
0x5e: {  	v30 =	vld.idx.msk [tilespmem:v31+s5+$0x0], $0xffff  }
0x5f: {  	v20 =	vld.idx.msk [tilespmem:v20+s6+$0x0], $0xffff;
	v24 =	vmul.f32 v62, v24;
	v26 =	vadd.f32 v26, v28  }
0x60: {  	v28 =	vld.idx.msk [tilespmem:v29+s5+$0x0], $0xffff  }
0x61: {  	v19 =	vld.idx.msk [tilespmem:v19+s6+$0x0], $0xffff;
	v22 =	vmul.f32 v63, v22;
	v24 =	vadd.f32 v24, v26  }
0x62: {  	v26 =	vld.idx.msk [tilespmem:v27+s5+$0x0], $0xffff  }
0x63: {  	v18 =	vld.idx.msk [tilespmem:v18+s6+$0x0], $0xffff;
	v21 =	vmul.f32 v30, v21;
	v22 =	vadd.f32 v22, v24  }
0x64: {  	v24 =	vld.idx.msk [tilespmem:v25+s5+$0x0], $0xffff  }
0x65: {  	v17 =	vld.idx.msk [tilespmem:v17+s6+$0x0], $0xffff;
	v20 =	vmul.f32 v28, v20;
	v21 =	vadd.f32 v21, v22  }
0x66: {  	v22 =	vld.idx.msk [tilespmem:v23+s5+$0x0], $0xffff  }
0x67: {  	v19 =	vmul.f32 v26, v19;
	v20 =	vadd.f32 v20, v21;
	_ =	sdelay $0x1  }
0x68: {  	v18 =	vmul.f32 v24, v18;
	v19 =	vadd.f32 v19, v20;
	_ =	sdelay $0x1  }
0x69: {  	v17 =	vmul.f32 v22, v17;
	v18 =	vadd.f32 v18, v19;
	_ =	sdelay $0x1  }
0x6a: {  	v17 =	vadd.f32 v17, v18;
	_ =	sdelay $0x1  }
0x6b: {  	v17 =	vsub.f32 $0.0e+00, v17;
	_ =	sdelay $0x1  }
0x6c: {  	v17 =	vmul.f32 $1.442695020e+00, v17;
	_ =	sdelay $0x1  }
0x6d: {  	(erf) = vpow2.f32 v17;
	_ =	sdelay $0x8  }
0x6e: {  	v17 =	vpop (erf)  }
0x6f: {  	v17 =	vadd.f32 $1.000000000e+00, v17;
	_ =	sdelay $0x1  }
0x70: {  	(erf) = vrcp.f32 v17;
	_ =	sdelay $0x4  }
0x71: {  	s9 =	simm.s32 $0x100  }
0x72: {  	v17 =	vor.u32 s9, v1  }
0x73: {  	v18 =	vor.u32 s9, v2  }
0x74: {  	v20 =	vor.u32 s9, v3  }
0x75: {  	s8 =	simm.s32 $0x6F80;
	v22 =	vor.u32 s9, v4;
	v19 =	vpop (erf)  }
0x76: {  	v24 =	vor.u32 s9, v5;
	[tilespmem:s8+$0x0] =	vst v19  }
0x77: {  	v26 =	vor.u32 s9, v6;
	v19 =	vld.idx.msk [tilespmem:v17+s7+$0x0], $0xffff  }
0x78: {  	v27 =	vor.u32 s9, v7;
	v21 =	vld.idx.msk [tilespmem:v18+s7+$0x0], $0xffff  }
0x79: {  	v28 =	vor.u32 s9, v8;
	v23 =	vld.idx.msk [tilespmem:v20+s7+$0x0], $0xffff  }
0x7a: {  	s10 =	simm.s32 $0x200;
	v29 =	vor.u32 s9, v9;
	v30 =	vor.u32 s9, v0;
	v25 =	vld.idx.msk [tilespmem:v22+s7+$0x0], $0xffff  }
.LBB2_1:
0x7b: {  	p0 =	sne.s32 s10, $0x300;
	v30 =	vand.u32 v10, v30;
	v31 =	vld.idx.msk [tilespmem:v24+s7+$0x0], $0xffff  }
0x7c: {  	v32 =	vor.u32 s9, v11;
	v33 =	vld.idx.msk [tilespmem:v26+s7+$0x0], $0xffff  }
0x7d: {  	v34 =	vor.u32 s9, v12;
	v35 =	vld.idx.msk [tilespmem:v27+s7+$0x0], $0xffff  }
0x7e: {  	v36 =	vor.u32 s9, v13;
	v37 =	vld.idx.msk [tilespmem:v28+s7+$0x0], $0xffff  }
0x7f: {  	v38 =	vor.u32 s9, v14;
	v39 =	vld.idx.msk [tilespmem:v29+s7+$0x0], $0xffff  }
0x80: {  	v41 =	vor.u32 s9, v15;
	v40 =	vld.idx.msk [tilespmem:v30+s7+$0x0], $0xffff  }
0x81: {  	v42 =	vor.u32 s9, v16;
	s9 =	smov.u32 s10;
	v43 =	vld.idx.msk [tilespmem:v32+s7+$0x0], $0xffff  }
0x82: {  	v44 =	vld.idx.msk [tilespmem:v34+s7+$0x0], $0xffff  }
0x83: {  	v45 =	vld.idx.msk [tilespmem:v36+s7+$0x0], $0xffff  }
0x84: {  	v46 =	vld.idx.msk [tilespmem:v38+s7+$0x0], $0xffff  }
0x85: {  	v47 =	vld.idx.msk [tilespmem:v41+s7+$0x0], $0xffff  }
0x86: {  	v48 =	vld.idx.msk [tilespmem:v42+s7+$0x0], $0xffff  }
0x87: {  	v30 =	vld.idx.msk [tilespmem:v30+s6+$0x0], $0xffff  }
0x88: {  	v40 =	vld.idx.msk [tilespmem:v40+s5+$0x0], $0xffff  }
0x89: {  	v34 =	vld.idx.msk [tilespmem:v34+s6+$0x0], $0xffff  }
0x8a: {  	v44 =	vld.idx.msk [tilespmem:v44+s5+$0x0], $0xffff  }
0x8b: {  	v38 =	vld.idx.msk [tilespmem:v38+s6+$0x0], $0xffff  }
0x8c: {  	v46 =	vld.idx.msk [tilespmem:v46+s5+$0x0], $0xffff  }
0x8d: {  	v42 =	vld.idx.msk [tilespmem:v42+s6+$0x0], $0xffff  }
0x8e: {  	v30 =	vmul.f32 v40, v30;
	v40 =	vld.idx.msk [tilespmem:v48+s5+$0x0], $0xffff  }
0x8f: {  	v41 =	vld.idx.msk [tilespmem:v41+s6+$0x0], $0xffff  }
0x90: {  	v30 =	vadd.f32 $0.0e+00, v30;
	v34 =	vmul.f32 v44, v34;
	v44 =	vld.idx.msk [tilespmem:v47+s5+$0x0], $0xffff  }
0x91: {  	v36 =	vld.idx.msk [tilespmem:v36+s6+$0x0], $0xffff  }
0x92: {  	v30 =	vadd.f32 v34, v30;
	v34 =	vmul.f32 v46, v38;
	v38 =	vld.idx.msk [tilespmem:v45+s5+$0x0], $0xffff  }
0x93: {  	v32 =	vld.idx.msk [tilespmem:v32+s6+$0x0], $0xffff  }
0x94: {  	v30 =	vadd.f32 v34, v30;
	v34 =	vmul.f32 v40, v42;
	v40 =	vld.idx.msk [tilespmem:v43+s5+$0x0], $0xffff  }
0x95: {  	v29 =	vld.idx.msk [tilespmem:v29+s6+$0x0], $0xffff  }
0x96: {  	v30 =	vadd.f32 v34, v30;
	v34 =	vmul.f32 v44, v41;
	v39 =	vld.idx.msk [tilespmem:v39+s5+$0x0], $0xffff  }
0x97: {  	v28 =	vld.idx.msk [tilespmem:v28+s6+$0x0], $0xffff  }
0x98: {  	v30 =	vadd.f32 v34, v30;
	v34 =	vmul.f32 v38, v36;
	v36 =	vld.idx.msk [tilespmem:v37+s5+$0x0], $0xffff  }
0x99: {  	v27 =	vld.idx.msk [tilespmem:v27+s6+$0x0], $0xffff  }
0x9a: {  	v30 =	vadd.f32 v34, v30;
	v32 =	vmul.f32 v40, v32;
	v34 =	vld.idx.msk [tilespmem:v35+s5+$0x0], $0xffff  }
0x9b: {  	v26 =	vld.idx.msk [tilespmem:v26+s6+$0x0], $0xffff  }
0x9c: {  	v30 =	vadd.f32 v32, v30;
	v29 =	vmul.f32 v39, v29;
	v32 =	vld.idx.msk [tilespmem:v33+s5+$0x0], $0xffff  }
0x9d: {  	v24 =	vld.idx.msk [tilespmem:v24+s6+$0x0], $0xffff  }
0x9e: {  	v29 =	vadd.f32 v29, v30;
	v28 =	vmul.f32 v36, v28;
	v30 =	vld.idx.msk [tilespmem:v31+s5+$0x0], $0xffff  }
0x9f: {  	v22 =	vld.idx.msk [tilespmem:v22+s6+$0x0], $0xffff  }
0xa0: {  	v28 =	vadd.f32 v28, v29;
	v27 =	vmul.f32 v34, v27;
	v25 =	vld.idx.msk [tilespmem:v25+s5+$0x0], $0xffff  }
0xa1: {  	v20 =	vld.idx.msk [tilespmem:v20+s6+$0x0], $0xffff  }
0xa2: {  	v27 =	vadd.f32 v27, v28;
	v26 =	vmul.f32 v32, v26;
	v23 =	vld.idx.msk [tilespmem:v23+s5+$0x0], $0xffff  }
0xa3: {  	v18 =	vld.idx.msk [tilespmem:v18+s6+$0x0], $0xffff  }
0xa4: {  	v26 =	vadd.f32 v26, v27;
	v24 =	vmul.f32 v30, v24;
	v21 =	vld.idx.msk [tilespmem:v21+s5+$0x0], $0xffff  }
0xa5: {  	v17 =	vld.idx.msk [tilespmem:v17+s6+$0x0], $0xffff  }
0xa6: {  	v24 =	vadd.f32 v24, v26;
	v22 =	vmul.f32 v25, v22;
	v19 =	vld.idx.msk [tilespmem:v19+s5+$0x0], $0xffff;
	_ =	sdelay $0x1  }
0xa7: {  	v22 =	vadd.f32 v22, v24;
	v20 =	vmul.f32 v23, v20;
	_ =	sdelay $0x1  }
0xa8: {  	v20 =	vadd.f32 v20, v22;
	v18 =	vmul.f32 v21, v18;
	_ =	sdelay $0x1  }
0xa9: {  	v18 =	vadd.f32 v18, v20;
	v17 =	vmul.f32 v19, v17;
	_ =	sdelay $0x1  }
0xaa: {  	v17 =	vadd.f32 v17, v18;
	_ =	sdelay $0x1  }
0xab: {  	v17 =	vsub.f32 $0.0e+00, v17;
	_ =	sdelay $0x1  }
0xac: {  	v17 =	vmul.f32 $1.442695020e+00, v17;
	_ =	sdelay $0x1  }
0xad: {  	(erf) = vpow2.f32 v17;
	_ =	sdelay $0x8  }
0xae: {  	v17 =	vpop (erf)  }
0xaf: {  	v17 =	vadd.f32 $1.000000000e+00, v17;
	_ =	sdelay $0x1  }
0xb0: {  	(erf) = vrcp.f32 v17;
	_ =	sdelay $0x5  }
0xb1: {  	v17 =	vor.u32 s10, v1  }
0xb2: {  	v18 =	vor.u32 s10, v2  }
0xb3: {  	v20 =	vor.u32 s10, v3  }
0xb4: {  	s8 =	sadd.s32 $0x10, s8;
	v22 =	vor.u32 s10, v4;
	v19 =	vpop (erf)  }
.Ltmp0:
0xb5: {  	v24 =	vor.u32 s10, v5;
	[tilespmem:s8+$0x0] =	vst v19;
	(pc) =	sbr.rel @p0 .LBB2_1-.Ltmp0, $4  }
0xb6: {  	v26 =	vor.u32 s10, v6;
	v19 =	vld.idx.msk [tilespmem:v17+s7+$0x0], $0xffff  }
0xb7: {  	v27 =	vor.u32 s10, v7;
	v21 =	vld.idx.msk [tilespmem:v18+s7+$0x0], $0xffff  }
0xb8: {  	v28 =	vor.u32 s10, v8;
	v23 =	vld.idx.msk [tilespmem:v20+s7+$0x0], $0xffff  }
0xb9: {  	v29 =	vor.u32 s9, v9;
	v30 =	vor.u32 s9, v0;
	s10 =	sadd.s32 $0x100, s10;
	v25 =	vld.idx.msk [tilespmem:v22+s7+$0x0], $0xffff  }
0xba: {  	_ =	sdelay $0x3  }
0xbb: {  	v0 =	vand.u32 v10, v30;
	v1 =	vld.idx.msk [tilespmem:v24+s7+$0x0], $0xffff  }
0xbc: {  	v2 =	vor.u32 s9, v11;
	v3 =	vld.idx.msk [tilespmem:v26+s7+$0x0], $0xffff  }
0xbd: {  	v4 =	vor.u32 s9, v12;
	v5 =	vld.idx.msk [tilespmem:v27+s7+$0x0], $0xffff  }
0xbe: {  	v6 =	vor.u32 s9, v13;
	v7 =	vld.idx.msk [tilespmem:v28+s7+$0x0], $0xffff  }
0xbf: {  	v8 =	vor.u32 s9, v14;
	v9 =	vld.idx.msk [tilespmem:v29+s7+$0x0], $0xffff  }
0xc0: {  	v11 =	vor.u32 s9, v15;
	v10 =	vld.idx.msk [tilespmem:v0+s7+$0x0], $0xffff  }
0xc1: {  	v12 =	vor.u32 s9, v16;
	v13 =	vld.idx.msk [tilespmem:v2+s7+$0x0], $0xffff  }
0xc2: {  	v14 =	vld.idx.msk [tilespmem:v4+s7+$0x0], $0xffff  }
0xc3: {  	v15 =	vld.idx.msk [tilespmem:v6+s7+$0x0], $0xffff  }
0xc4: {  	v16 =	vld.idx.msk [tilespmem:v8+s7+$0x0], $0xffff  }
0xc5: {  	v63 =	vld.idx.msk [tilespmem:v11+s7+$0x0], $0xffff  }
0xc6: {  	v31 =	vld.idx.msk [tilespmem:v12+s7+$0x0], $0xffff  }
0xc7: {  	v0 =	vld.idx.msk [tilespmem:v0+s6+$0x0], $0xffff  }
0xc8: {  	v10 =	vld.idx.msk [tilespmem:v10+s5+$0x0], $0xffff  }
0xc9: {  	v4 =	vld.idx.msk [tilespmem:v4+s6+$0x0], $0xffff  }
0xca: {  	v14 =	vld.idx.msk [tilespmem:v14+s5+$0x0], $0xffff  }
0xcb: {  	v8 =	vld.idx.msk [tilespmem:v8+s6+$0x0], $0xffff  }
0xcc: {  	v16 =	vld.idx.msk [tilespmem:v16+s5+$0x0], $0xffff  }
0xcd: {  	v12 =	vld.idx.msk [tilespmem:v12+s6+$0x0], $0xffff;
	v0 =	vmul.f32 v10, v0  }
0xce: {  	v10 =	vld.idx.msk [tilespmem:v31+s5+$0x0], $0xffff  }
0xcf: {  	v11 =	vld.idx.msk [tilespmem:v11+s6+$0x0], $0xffff;
	v4 =	vmul.f32 v14, v4;
	v0 =	vadd.f32 $0.0e+00, v0  }
0xd0: {  	v14 =	vld.idx.msk [tilespmem:v63+s5+$0x0], $0xffff  }
0xd1: {  	v6 =	vld.idx.msk [tilespmem:v6+s6+$0x0], $0xffff;
	v0 =	vadd.f32 v4, v0;
	v4 =	vmul.f32 v16, v8  }
0xd2: {  	v8 =	vld.idx.msk [tilespmem:v15+s5+$0x0], $0xffff  }
0xd3: {  	v2 =	vld.idx.msk [tilespmem:v2+s6+$0x0], $0xffff;
	v0 =	vadd.f32 v4, v0;
	v4 =	vmul.f32 v10, v12  }
0xd4: {  	v10 =	vld.idx.msk [tilespmem:v13+s5+$0x0], $0xffff  }
0xd5: {  	v9 =	vld.idx.msk [tilespmem:v9+s5+$0x0], $0xffff;
	v0 =	vadd.f32 v4, v0;
	v4 =	vmul.f32 v14, v11  }
0xd6: {  	v12 =	vld.idx.msk [tilespmem:v29+s6+$0x0], $0xffff  }
0xd7: {  	v11 =	vld.idx.msk [tilespmem:v28+s6+$0x0], $0xffff;
	v0 =	vadd.f32 v4, v0;
	v4 =	vmul.f32 v8, v6  }
0xd8: {  	v6 =	vld.idx.msk [tilespmem:v7+s5+$0x0], $0xffff  }
0xd9: {  	v7 =	vld.idx.msk [tilespmem:v27+s6+$0x0], $0xffff;
	v2 =	vmul.f32 v10, v2;
	v0 =	vadd.f32 v4, v0  }
0xda: {  	v4 =	vld.idx.msk [tilespmem:v5+s5+$0x0], $0xffff  }
0xdb: {  	v3 =	vld.idx.msk [tilespmem:v3+s5+$0x0], $0xffff;
	v0 =	vadd.f32 v2, v0;
	v2 =	vmul.f32 v9, v12  }
0xdc: {  	v5 =	vld.idx.msk [tilespmem:v26+s6+$0x0], $0xffff  }
0xdd: {  	v1 =	vld.idx.msk [tilespmem:v1+s5+$0x0], $0xffff;
	v0 =	vadd.f32 v2, v0;
	v2 =	vmul.f32 v6, v11  }
0xde: {  	v8 =	vld.idx.msk [tilespmem:v24+s6+$0x0], $0xffff  }
0xdf: {  	v6 =	vld.idx.msk [tilespmem:v22+s6+$0x0], $0xffff;
	v0 =	vadd.f32 v2, v0;
	v2 =	vmul.f32 v4, v7  }
0xe0: {  	v4 =	vld.idx.msk [tilespmem:v25+s5+$0x0], $0xffff  }
0xe1: {  	v7 =	vld.idx.msk [tilespmem:v20+s6+$0x0], $0xffff;
	v0 =	vadd.f32 v2, v0;
	v2 =	vmul.f32 v3, v5  }
0xe2: {  	v3 =	vld.idx.msk [tilespmem:v23+s5+$0x0], $0xffff  }
0xe3: {  	v1 =	vmul.f32 v1, v8;
	v5 =	vld.idx.msk [tilespmem:v18+s6+$0x0], $0xffff;
	v0 =	vadd.f32 v2, v0  }
0xe4: {  	v2 =	vld.idx.msk [tilespmem:v21+s5+$0x0], $0xffff  }
0xe5: {  	v8 =	vld.idx.msk [tilespmem:v17+s6+$0x0], $0xffff;
	v0 =	vadd.f32 v1, v0;
	v1 =	vmul.f32 v4, v6  }
0xe6: {  	v4 =	vld.idx.msk [tilespmem:v19+s5+$0x0], $0xffff  }
0xe7: {  	v0 =	vadd.f32 v1, v0;
	v1 =	vmul.f32 v3, v7;
	_ =	sdelay $0x1  }
0xe8: {  	v0 =	vadd.f32 v1, v0;
	v1 =	vmul.f32 v2, v5;
	_ =	sdelay $0x1  }
0xe9: {  	v0 =	vadd.f32 v1, v0;
	v1 =	vmul.f32 v4, v8;
	_ =	sdelay $0x1  }
0xea: {  	v0 =	vadd.f32 v1, v0;
	_ =	sdelay $0x1  }
0xeb: {  	v0 =	vsub.f32 $0.0e+00, v0;
	_ =	sdelay $0x1  }
0xec: {  	v0 =	vmul.f32 $1.442695020e+00, v0;
	_ =	sdelay $0x1  }
0xed: {  	(erf) = vpow2.f32 v0;
	_ =	sdelay $0x8  }
0xee: {  	v0 =	vpop (erf)  }
0xef: {  	v0 =	vadd.f32 $1.000000000e+00, v0;
	_ =	sdelay $0x1  }
0xf0: {  	(erf) = vrcp.f32 v0;
	_ =	sdelay $0x8  }
0xf1: {  	s26 =	sadd.s32 $0x10, s8;
	v0 =	vpop (erf)  }
0xf2: {  	s28 =	simm.s32 $0x2;
	[tilespmem:s26+$0x0] =	vst v0  }
0xf3: {  	_ =	swait.ge [sflag:s28], $0x400  }
0xf4: {  	[sflag:s28] =	ssyncset.done $0x0  }
0xf5: {  	[sflag:s28] =	ssyncadd.s32 $0xFFFFFC00  }
0xf6: {  	_ =	swait.ge [sflag:s28], $0x400  }
0xf7: {  	[sflag:s28] =	ssyncset.done $0x0  }
0xf8: {  	[sflag:s28] =	ssyncadd.s32 $0xFFFFFC00  }
0xf9: {  	_ =	swait.ge [sflag:s28], $0x400  }
0xfa: {  	[sflag:s28] =	ssyncset.done $0x0  }
0xfb: {  	[sflag:s28] =	ssyncadd.s32 $0xFFFFFC00  }
0xfc: {  	_ =	swait.ge [sflag:s28], $0x400  }
0xfd: {  	[sflag:s28] =	ssyncset.done $0x0  }
0xfe: {  	[sflag:s28] =	ssyncadd.s32 $0xFFFFFC00  }
0xff: {  	_ =	swait.ge [sflag:s28], $0x400  }
0x100: {  	[sflag:s28] =	ssyncset.done $0x0  }
0x101: {  	[sflag:s28] =	ssyncadd.s32 $0xFFFFFC00  }
0x102: {  	_ =	swait.ge [sflag:s28], $0x400  }
0x103: {  	[sflag:s28] =	ssyncset.done $0x0  }
0x104: {  	[sflag:s28] =	ssyncadd.s32 $0xFFFFFC00  }
0x105: {  	_ =	swait.ge [sflag:s28], $0x400  }
0x106: {  	[sflag:s28] =	ssyncset.done $0x0  }
0x107: {  	[sflag:s28] =	ssyncadd.s32 $0xFFFFFC00  }
0x108: {  	_ =	swait.ge [sflag:s28], $0x400  }
0x109: {  	[sflag:s28] =	ssyncset.done $0x0  }
0x10a: {  	[sflag:s28] =	ssyncadd.s32 $0xFFFFFC00  }
0x10b: {  	_ =	swait.ge [sflag:s28], $0x400  }
0x10c: {  	[sflag:s28] =	ssyncset.done $0x0  }
0x10d: {  	[sflag:s28] =	ssyncadd.s32 $0xFFFFFC00  }
0x10e: {  	_ =	swait.ge [sflag:s28], $0x400  }
0x10f: {  	[sflag:s28] =	ssyncset.done $0x0  }
0x110: {  	[sflag:s28] =	ssyncadd.s32 $0xFFFFFC00  }
0x111: {  	_ =	swait.ge [sflag:s28], $0x400  }
0x112: {  	[sflag:s28] =	ssyncset.done $0x0  }
0x113: {  	[sflag:s28] =	ssyncadd.s32 $0xFFFFFC00  }
0x114: {  	_ =	swait.ge [sflag:s28], $0x400  }
0x115: {  	[sflag:s28] =	ssyncset.done $0x0  }
0x116: {  	[sflag:s28] =	ssyncadd.s32 $0xFFFFFC00  }
0x117: {  	_ =	swait.ge [sflag:s28], $0x400  }
0x118: {  	[sflag:s28] =	ssyncset.done $0x0  }
0x119: {  	[sflag:s28] =	ssyncadd.s32 $0xFFFFFC00  }
0x11a: {  	_ =	swait.ge [sflag:s28], $0x400  }
0x11b: {  	[sflag:s28] =	ssyncset.done $0x0  }
0x11c: {  	[sflag:s28] =	ssyncadd.s32 $0xFFFFFC00  }
0x11d: {  	_ =	swait.ge [sflag:s28], $0x400  }
0x11e: {  	[sflag:s28] =	ssyncset.done $0x0  }
0x11f: {  	[sflag:s28] =	ssyncadd.s32 $0xFFFFFC00  }
0x120: {  	_ =	swait.ge [sflag:s28], $0x400  }
0x121: {  	s29 =	sadd.s32 s3, s4;
	[sflag:s28] =	ssyncset.done $0x0  }
0x122: {  	s30 =	simm.s32 $0x6F80;
	s6 =	simm.s32 $0x3;
	[sflag:s28] =	ssyncadd.s32 $0xFFFFFC00  }
0x123: {  	v0 =	vlaneseq.u32;
	[spmem:s29] =	stream.linear.scatter [tilespmem:s30], [sflag:$0x3], $0x40, $0x38;
	[tilespmem:$0x7080] =	vst v63  }
0x124: {  	v1 =	vand.u32 $0x7, v0;
	v0 =	vmul.u32 $0x10, v0;
	_ =	swait.ge [sflag:s6], $0x40  }
0x125: {  	[sflag:s6] =	ssyncset.done $0x0  }
0x126: {  	v1 =	vmul.u32 $0x10, v1;
	v2 =	vor.u32 $0x1, v0;
	[sflag:s6] =	ssyncadd.s32 $0xFFFFFFC0  }
0x127: {  	s31 =	simm.s32 $0x3E8;
	v3 =	vor.u32 $0x2, v0;
	v4 =	vor.u32 $0x3, v0;
	v5 =	vor.u32 $0x4, v0;
	[bflag:$0x0] =	sbarrier.arrive $0xFFFF  }
0x128: {  	v6 =	vor.u32 $0x5, v0;
	v7 =	vor.u32 $0x6, v0;
	v8 =	vor.u32 $0x7, v0;
	[tilespmem:s31], [sflag:$0x3] =	stream.linear.gather [spmem:s4], $0x3E8, $0x38;
	[tilespmem:$0x7080] =	vst v63  }
0x129: {  	s8 =	simm.s32 $0x400;
	v9 =	vor.u32 $0x8, v0;
	v10 =	vor.u32 $0x9, v0;
	v11 =	vor.u32 $0xA, v0;
	_ =	swait.ge [sflag:s6], $0x3E8  }
0x12a: {  	s9 =	simm.s32 $0x2780;
	s10 =	simm.s32 $0x4B80;
	v12 =	vor.u32 $0xB, v0;
	v13 =	vor.u32 $0xC, v0;
	v14 =	vor.u32 $0xD, v0;
	[sflag:s6] =	ssyncset.done $0x0  }
0x12b: {  	s11 =	simm.s32 $0x0;
	s7 =	simm.s32 $0x1;
	v15 =	vor.u32 $0xE, v0;
	v16 =	vor.u32 $0xF, v0;
	v1 =	vor.u32 $0xFFFFFF80, v1;
	[sflag:s6] =	ssyncadd.s32 $0xFFFFFC18  }
.LBB2_3:
0x12c: {  	v17 =	vor.u32 s8, v16  }
0x12d: {  	v19 =	vor.u32 s8, v15  }
0x12e: {  	v20 =	vor.u32 s8, v14  }
0x12f: {  	v22 =	vor.u32 s8, v13  }
0x130: {  	v24 =	vor.u32 s8, v12  }
0x131: {  	v26 =	vor.u32 s8, v11;
	v18 =	vld.idx.msk [tilespmem:v17+s9+$0x0], $0xffff  }
0x132: {  	v27 =	vor.u32 s8, v10;
	v21 =	vld.idx.msk [tilespmem:v19+s9+$0x0], $0xffff  }
0x133: {  	s5 =	sshll.u32 s7, $0xA;
	v28 =	vor.u32 s8, v9;
	v23 =	vld.idx.msk [tilespmem:v20+s9+$0x0], $0xffff  }
0x134: {  	v30 =	vor.u32 s8, v0;
	v29 =	vor.u32 s8, v8;
	s14 =	simm.s32 $0x40;
	s13 =	smov.u32 s8;
	s12 =	simm.s32 $0x0;
	v25 =	vld.idx.msk [tilespmem:v22+s9+$0x0], $0xffff  }
.LBB2_4:
0x135: {  	p0 =	sne.s32 s14, $0xC0;
	v30 =	vand.u32 v1, v30;
	v31 =	vld.idx.msk [tilespmem:v24+s9+$0x0], $0xffff  }
0x136: {  	v32 =	vor.u32 s13, v7;
	v33 =	vld.idx.msk [tilespmem:v26+s9+$0x0], $0xffff  }
0x137: {  	v34 =	vor.u32 s13, v2;
	v35 =	vld.idx.msk [tilespmem:v27+s9+$0x0], $0xffff  }
0x138: {  	v36 =	vor.u32 s13, v6;
	v37 =	vld.idx.msk [tilespmem:v28+s9+$0x0], $0xffff  }
0x139: {  	v38 =	vor.u32 s13, v3;
	v39 =	vld.idx.msk [tilespmem:v29+s9+$0x0], $0xffff  }
0x13a: {  	v41 =	vor.u32 s13, v5;
	v40 =	vld.idx.msk [tilespmem:v30+s9+$0x0], $0xffff  }
0x13b: {  	v42 =	vor.u32 s13, v4;
	v43 =	vld.idx.msk [tilespmem:v32+s9+$0x0], $0xffff  }
0x13c: {  	v44 =	vld.idx.msk [tilespmem:v34+s9+$0x0], $0xffff  }
0x13d: {  	v45 =	vld.idx.msk [tilespmem:v36+s9+$0x0], $0xffff  }
0x13e: {  	v46 =	vld.idx.msk [tilespmem:v38+s9+$0x0], $0xffff  }
0x13f: {  	v47 =	vld.idx.msk [tilespmem:v41+s9+$0x0], $0xffff  }
0x140: {  	v48 =	vld.idx.msk [tilespmem:v42+s9+$0x0], $0xffff  }
0x141: {  	v30 =	vld.idx.msk [tilespmem:v30+s10+$0x0], $0xffff  }
0x142: {  	v40 =	vld.idx.msk [tilespmem:v40+s11+$0x0], $0xffff  }
0x143: {  	v34 =	vld.idx.msk [tilespmem:v34+s10+$0x0], $0xffff  }
0x144: {  	v44 =	vld.idx.msk [tilespmem:v44+s11+$0x0], $0xffff  }
0x145: {  	v38 =	vld.idx.msk [tilespmem:v38+s10+$0x0], $0xffff  }
0x146: {  	v46 =	vld.idx.msk [tilespmem:v46+s11+$0x0], $0xffff  }
0x147: {  	v42 =	vld.idx.msk [tilespmem:v42+s10+$0x0], $0xffff  }
0x148: {  	v30 =	vmul.f32 v40, v30;
	v40 =	vld.idx.msk [tilespmem:v48+s11+$0x0], $0xffff  }
0x149: {  	v41 =	vld.idx.msk [tilespmem:v41+s10+$0x0], $0xffff  }
0x14a: {  	v30 =	vadd.f32 $0.0e+00, v30;
	v34 =	vmul.f32 v44, v34;
	v44 =	vld.idx.msk [tilespmem:v47+s11+$0x0], $0xffff  }
0x14b: {  	v36 =	vld.idx.msk [tilespmem:v36+s10+$0x0], $0xffff  }
0x14c: {  	v30 =	vadd.f32 v34, v30;
	v34 =	vmul.f32 v46, v38;
	v38 =	vld.idx.msk [tilespmem:v45+s11+$0x0], $0xffff  }
0x14d: {  	v32 =	vld.idx.msk [tilespmem:v32+s10+$0x0], $0xffff  }
0x14e: {  	v30 =	vadd.f32 v34, v30;
	v34 =	vmul.f32 v40, v42;
	v40 =	vld.idx.msk [tilespmem:v43+s11+$0x0], $0xffff  }
0x14f: {  	v29 =	vld.idx.msk [tilespmem:v29+s10+$0x0], $0xffff  }
0x150: {  	v30 =	vadd.f32 v34, v30;
	v34 =	vmul.f32 v44, v41;
	v39 =	vld.idx.msk [tilespmem:v39+s11+$0x0], $0xffff  }
0x151: {  	v28 =	vld.idx.msk [tilespmem:v28+s10+$0x0], $0xffff  }
0x152: {  	v30 =	vadd.f32 v34, v30;
	v34 =	vmul.f32 v38, v36;
	v36 =	vld.idx.msk [tilespmem:v37+s11+$0x0], $0xffff  }
0x153: {  	v27 =	vld.idx.msk [tilespmem:v27+s10+$0x0], $0xffff  }
0x154: {  	v30 =	vadd.f32 v34, v30;
	v32 =	vmul.f32 v40, v32;
	v34 =	vld.idx.msk [tilespmem:v35+s11+$0x0], $0xffff  }
0x155: {  	v26 =	vld.idx.msk [tilespmem:v26+s10+$0x0], $0xffff  }
0x156: {  	v30 =	vadd.f32 v32, v30;
	v29 =	vmul.f32 v39, v29;
	v32 =	vld.idx.msk [tilespmem:v33+s11+$0x0], $0xffff  }
0x157: {  	v24 =	vld.idx.msk [tilespmem:v24+s10+$0x0], $0xffff  }
0x158: {  	v29 =	vadd.f32 v29, v30;
	v28 =	vmul.f32 v36, v28;
	v30 =	vld.idx.msk [tilespmem:v31+s11+$0x0], $0xffff  }
0x159: {  	v22 =	vld.idx.msk [tilespmem:v22+s10+$0x0], $0xffff  }
0x15a: {  	v28 =	vadd.f32 v28, v29;
	v27 =	vmul.f32 v34, v27;
	v25 =	vld.idx.msk [tilespmem:v25+s11+$0x0], $0xffff  }
0x15b: {  	v20 =	vld.idx.msk [tilespmem:v20+s10+$0x0], $0xffff  }
0x15c: {  	v27 =	vadd.f32 v27, v28;
	v26 =	vmul.f32 v32, v26;
	v23 =	vld.idx.msk [tilespmem:v23+s11+$0x0], $0xffff  }
0x15d: {  	v19 =	vld.idx.msk [tilespmem:v19+s10+$0x0], $0xffff  }
0x15e: {  	v26 =	vadd.f32 v26, v27;
	v24 =	vmul.f32 v30, v24;
	v21 =	vld.idx.msk [tilespmem:v21+s11+$0x0], $0xffff  }
0x15f: {  	v17 =	vld.idx.msk [tilespmem:v17+s10+$0x0], $0xffff  }
0x160: {  	v24 =	vadd.f32 v24, v26;
	v22 =	vmul.f32 v25, v22;
	v18 =	vld.idx.msk [tilespmem:v18+s11+$0x0], $0xffff;
	_ =	sdelay $0x1  }
0x161: {  	v22 =	vadd.f32 v22, v24;
	v20 =	vmul.f32 v23, v20;
	_ =	sdelay $0x1  }
0x162: {  	v20 =	vadd.f32 v20, v22;
	v19 =	vmul.f32 v21, v19;
	_ =	sdelay $0x1  }
0x163: {  	v19 =	vadd.f32 v19, v20;
	v17 =	vmul.f32 v18, v17;
	_ =	sdelay $0x1  }
0x164: {  	v17 =	vadd.f32 v17, v19;
	_ =	sdelay $0x1  }
0x165: {  	v17 =	vsub.f32 $0.0e+00, v17;
	_ =	sdelay $0x1  }
0x166: {  	v17 =	vmul.f32 $1.442695020e+00, v17;
	_ =	sdelay $0x1  }
0x167: {  	(erf) = vpow2.f32 v17;
	_ =	sdelay $0x8  }
0x168: {  	v17 =	vpop (erf)  }
0x169: {  	v17 =	vadd.f32 $1.000000000e+00, v17;
	_ =	sdelay $0x1  }
0x16a: {  	(erf) = vrcp.f32 v17;
	_ =	sdelay $0x4  }
0x16b: {  	s13 =	sadd.s32 $0x100, s13  }
0x16c: {  	v17 =	vor.u32 s13, v16  }
0x16d: {  	v19 =	vor.u32 s13, v15  }
0x16e: {  	v20 =	vor.u32 s13, v14  }
0x16f: {  	s15 =	sshra.s32 s12, $0x2;
	s12 =	smov.u32 s14;
	v22 =	vor.u32 s13, v13;
	v18 =	vpop (erf)  }
.Ltmp1:
0x170: {  	v24 =	vor.u32 s13, v12;
	[tilespmem:s15+$0x6F80] =	vst v18;
	(pc) =	sbr.rel @p0 .LBB2_4-.Ltmp1, $4  }
0x171: {  	v26 =	vor.u32 s13, v11;
	v18 =	vld.idx.msk [tilespmem:v17+s9+$0x0], $0xffff  }
0x172: {  	v27 =	vor.u32 s13, v10;
	v21 =	vld.idx.msk [tilespmem:v19+s9+$0x0], $0xffff  }
0x173: {  	v28 =	vor.u32 s13, v9;
	v23 =	vld.idx.msk [tilespmem:v20+s9+$0x0], $0xffff  }
0x174: {  	s14 =	sadd.s32 $0x40, s14;
	v29 =	vor.u32 s13, v8;
	v30 =	vor.u32 s13, v0;
	v25 =	vld.idx.msk [tilespmem:v22+s9+$0x0], $0xffff  }
0x175: {  	_ =	sdelay $0x3  }
0x176: {  	v30 =	vand.u32 v1, v30;
	v31 =	vld.idx.msk [tilespmem:v24+s9+$0x0], $0xffff  }
0x177: {  	v32 =	vor.u32 s13, v7;
	v33 =	vld.idx.msk [tilespmem:v26+s9+$0x0], $0xffff  }
0x178: {  	v34 =	vor.u32 s13, v2;
	v35 =	vld.idx.msk [tilespmem:v27+s9+$0x0], $0xffff  }
0x179: {  	v36 =	vor.u32 s13, v6;
	v37 =	vld.idx.msk [tilespmem:v28+s9+$0x0], $0xffff  }
0x17a: {  	v38 =	vor.u32 s13, v3;
	v39 =	vld.idx.msk [tilespmem:v29+s9+$0x0], $0xffff  }
0x17b: {  	v41 =	vor.u32 s13, v5;
	v40 =	vld.idx.msk [tilespmem:v30+s9+$0x0], $0xffff  }
0x17c: {  	v42 =	vor.u32 s13, v4;
	v43 =	vld.idx.msk [tilespmem:v32+s9+$0x0], $0xffff  }
0x17d: {  	v44 =	vld.idx.msk [tilespmem:v34+s9+$0x0], $0xffff  }
0x17e: {  	v45 =	vld.idx.msk [tilespmem:v36+s9+$0x0], $0xffff  }
0x17f: {  	v46 =	vld.idx.msk [tilespmem:v38+s9+$0x0], $0xffff  }
0x180: {  	v47 =	vld.idx.msk [tilespmem:v41+s9+$0x0], $0xffff  }
0x181: {  	v48 =	vld.idx.msk [tilespmem:v42+s9+$0x0], $0xffff  }
0x182: {  	v30 =	vld.idx.msk [tilespmem:v30+s10+$0x0], $0xffff  }
0x183: {  	v40 =	vld.idx.msk [tilespmem:v40+s11+$0x0], $0xffff  }
0x184: {  	v34 =	vld.idx.msk [tilespmem:v34+s10+$0x0], $0xffff  }
0x185: {  	v44 =	vld.idx.msk [tilespmem:v44+s11+$0x0], $0xffff  }
0x186: {  	v38 =	vld.idx.msk [tilespmem:v38+s10+$0x0], $0xffff  }
0x187: {  	v46 =	vld.idx.msk [tilespmem:v46+s11+$0x0], $0xffff  }
0x188: {  	v42 =	vld.idx.msk [tilespmem:v42+s10+$0x0], $0xffff;
	v30 =	vmul.f32 v40, v30  }
0x189: {  	v63 =	vld.idx.msk [tilespmem:v48+s11+$0x0], $0xffff  }
0x18a: {  	v41 =	vld.idx.msk [tilespmem:v41+s10+$0x0], $0xffff;
	v34 =	vmul.f32 v44, v34;
	v30 =	vadd.f32 $0.0e+00, v30  }
0x18b: {  	v48 =	vld.idx.msk [tilespmem:v47+s11+$0x0], $0xffff  }
0x18c: {  	v36 =	vld.idx.msk [tilespmem:v36+s10+$0x0], $0xffff;
	v49 =	vmul.f32 v46, v38;
	v30 =	vadd.f32 v34, v30  }
0x18d: {  	v50 =	vld.idx.msk [tilespmem:v45+s11+$0x0], $0xffff  }
0x18e: {  	v32 =	vld.idx.msk [tilespmem:v32+s10+$0x0], $0xffff;
	v51 =	vmul.f32 v63, v42;
	v30 =	vadd.f32 v49, v30  }
0x18f: {  	v52 =	vld.idx.msk [tilespmem:v43+s11+$0x0], $0xffff  }
0x190: {  	v53 =	vld.idx.msk [tilespmem:v29+s10+$0x0], $0xffff;
	v54 =	vmul.f32 v48, v41;
	v30 =	vadd.f32 v51, v30  }
0x191: {  	v39 =	vld.idx.msk [tilespmem:v39+s11+$0x0], $0xffff  }
0x192: {  	v55 =	vld.idx.msk [tilespmem:v28+s10+$0x0], $0xffff;
	v56 =	vmul.f32 v50, v36;
	v30 =	vadd.f32 v54, v30  }
0x193: {  	v57 =	vld.idx.msk [tilespmem:v37+s11+$0x0], $0xffff  }
0x194: {  	v58 =	vld.idx.msk [tilespmem:v27+s10+$0x0], $0xffff;
	v32 =	vmul.f32 v52, v32;
	v30 =	vadd.f32 v56, v30  }
0x195: {  	v59 =	vld.idx.msk [tilespmem:v35+s11+$0x0], $0xffff  }
0x196: {  	v60 =	vld.idx.msk [tilespmem:v26+s10+$0x0], $0xffff;
	v29 =	vmul.f32 v39, v53;
	v30 =	vadd.f32 v32, v30  }
0x197: {  	v61 =	vld.idx.msk [tilespmem:v33+s11+$0x0], $0xffff  }
0x198: {  	v62 =	vld.idx.msk [tilespmem:v24+s10+$0x0], $0xffff;
	v28 =	vmul.f32 v57, v55;
	v29 =	vadd.f32 v29, v30  }
0x199: {  	v63 =	vld.idx.msk [tilespmem:v31+s11+$0x0], $0xffff  }
0x19a: {  	v22 =	vld.idx.msk [tilespmem:v22+s10+$0x0], $0xffff;
	v27 =	vmul.f32 v59, v58;
	v28 =	vadd.f32 v28, v29  }
0x19b: {  	v25 =	vld.idx.msk [tilespmem:v25+s11+$0x0], $0xffff  }
0x19c: {  	v20 =	vld.idx.msk [tilespmem:v20+s10+$0x0], $0xffff;
	v26 =	vmul.f32 v61, v60;
	v27 =	vadd.f32 v27, v28  }
0x19d: {  	v23 =	vld.idx.msk [tilespmem:v23+s11+$0x0], $0xffff  }
0x19e: {  	v19 =	vld.idx.msk [tilespmem:v19+s10+$0x0], $0xffff;
	v24 =	vmul.f32 v63, v62;
	v26 =	vadd.f32 v26, v27  }
0x19f: {  	v21 =	vld.idx.msk [tilespmem:v21+s11+$0x0], $0xffff  }
0x1a0: {  	v17 =	vld.idx.msk [tilespmem:v17+s10+$0x0], $0xffff;
	v22 =	vmul.f32 v25, v22;
	v24 =	vadd.f32 v24, v26  }
0x1a1: {  	v18 =	vld.idx.msk [tilespmem:v18+s11+$0x0], $0xffff  }
0x1a2: {  	v20 =	vmul.f32 v23, v20;
	v22 =	vadd.f32 v22, v24;
	_ =	sdelay $0x1  }
0x1a3: {  	v19 =	vmul.f32 v21, v19;
	v20 =	vadd.f32 v20, v22;
	_ =	sdelay $0x1  }
0x1a4: {  	v17 =	vmul.f32 v18, v17;
	v19 =	vadd.f32 v19, v20;
	_ =	sdelay $0x1  }
0x1a5: {  	v17 =	vadd.f32 v17, v19;
	_ =	sdelay $0x1  }
0x1a6: {  	v17 =	vsub.f32 $0.0e+00, v17;
	_ =	sdelay $0x1  }
0x1a7: {  	v17 =	vmul.f32 $1.442695020e+00, v17;
	_ =	sdelay $0x1  }
0x1a8: {  	(erf) = vpow2.f32 v17;
	_ =	sdelay $0x8  }
0x1a9: {  	v17 =	vpop (erf)  }
0x1aa: {  	v17 =	vadd.f32 $1.000000000e+00, v17;
	_ =	sdelay $0x1  }
0x1ab: {  	(erf) = vrcp.f32 v17;
	_ =	sdelay $0x7  }
0x1ac: {  	s5 =	sand.u32 $0x400, s5  }
0x1ad: {  	s12 =	sshra.s32 s12, $0x2;
	s29 =	sadd.s32 s5, s4;
	v17 =	vpop (erf)  }
0x1ae: {  	s5 =	simm.s32 $0x6F80;
	s30 =	sadd.s32 s3, s29;
	[tilespmem:s12+$0x6F80] =	vst v17  }
0x1af: {  	[spmem:s30] =	stream.linear.scatter [tilespmem:s5], [sflag:$0x3], $0x40, $0x38;
	[tilespmem:$0x7080] =	vst v63  }
0x1b0: {  	s7 =	sadd.s32 $0x1, s7;
	_ =	swait.ge [sflag:s6], $0x40  }
0x1b1: {  	s31 =	smul.u32 $0xFA0, s7;
	[sflag:s6] =	ssyncset.done $0x0  }
0x1b2: {  	p0 =	sne.s32 s7, $0x8;
	[sflag:s6] =	ssyncadd.s32 $0xFFFFFFC0  }
.Ltmp2:
0x1b3: {  	s12 =	sshra.s32 s31, $0x2;
	[bflag:$0x0] =	sbarrier.arrive $0xFFFF;
	(pc) =	sbr.rel @p0 .LBB2_3-.Ltmp2, $4  }
0x1b4: {  	[tilespmem:s12], [sflag:$0x3] =	stream.linear.gather [spmem:s29], $0x3E8, $0x38;
	[tilespmem:$0x7080] =	vst v63  }
0x1b5: {  	_ =	swait.ge [sflag:s6], $0x3E8  }
0x1b6: {  	[sflag:s6] =	ssyncset.done $0x0  }
0x1b7: {  	s8 =	sadd.s32 $0x400, s8;
	[sflag:s6] =	ssyncadd.s32 $0xFFFFFC18  }
0x1b8: {  	v7 =	vlaneseq.u32  }
0x1b9: {  	v0 =	vmul.u32 $0x10, v7;
	_ =	sdelay $0x1  }
0x1ba: {  	s4 =	simm.s32 $0x2000;
	v1 =	vor.u32 $0xF, v0  }
0x1bb: {  	v2 =	vor.u32 $0xE, v0;
	v17 =	vor.u32 s4, v1  }
0x1bc: {  	v3 =	vor.u32 $0xD, v0;
	v18 =	vor.u32 s4, v2  }
0x1bd: {  	v4 =	vor.u32 $0xC, v0;
	v19 =	vor.u32 s4, v3  }
0x1be: {  	v5 =	vor.u32 $0xB, v0;
	v20 =	vor.u32 s4, v4  }
0x1bf: {  	s7 =	simm.s32 $0x2780;
	v6 =	vor.u32 $0xA, v0;
	v21 =	vor.u32 s4, v5  }
0x1c0: {  	v8 =	vand.u32 $0x7, v7;
	v7 =	vor.u32 $0x9, v0;
	v22 =	vor.u32 s4, v6;
	v23 =	vld.idx.msk [tilespmem:v17+s7+$0x0], $0xffff  }
0x1c1: {  	v10 =	vmul.u32 $0x10, v8;
	v8 =	vor.u32 $0x8, v0;
	v24 =	vor.u32 s4, v7;
	v25 =	vld.idx.msk [tilespmem:v18+s7+$0x0], $0xffff  }
0x1c2: {  	v9 =	vor.u32 $0x7, v0;
	v26 =	vor.u32 s4, v8;
	v27 =	vld.idx.msk [tilespmem:v19+s7+$0x0], $0xffff  }
0x1c3: {  	v12 =	vor.u32 s4, v0;
	v10 =	vor.u32 $0xFFFFFF80, v10;
	v28 =	vor.u32 s4, v9;
	v29 =	vld.idx.msk [tilespmem:v20+s7+$0x0], $0xffff  }
0x1c4: {  	v11 =	vor.u32 $0x6, v0;
	v30 =	vand.u32 v10, v12;
	v31 =	vld.idx.msk [tilespmem:v21+s7+$0x0], $0xffff  }
0x1c5: {  	v32 =	vor.u32 s4, v11;
	v12 =	vor.u32 $0x1, v0;
	v33 =	vld.idx.msk [tilespmem:v22+s7+$0x0], $0xffff  }
0x1c6: {  	v13 =	vor.u32 $0x5, v0;
	v34 =	vor.u32 s4, v12;
	v35 =	vld.idx.msk [tilespmem:v24+s7+$0x0], $0xffff  }
0x1c7: {  	v14 =	vor.u32 $0x2, v0;
	v36 =	vor.u32 s4, v13;
	v37 =	vld.idx.msk [tilespmem:v26+s7+$0x0], $0xffff  }
0x1c8: {  	v15 =	vor.u32 $0x4, v0;
	v38 =	vor.u32 s4, v14;
	v39 =	vld.idx.msk [tilespmem:v28+s7+$0x0], $0xffff  }
0x1c9: {  	v16 =	vor.u32 $0x3, v0;
	v41 =	vor.u32 s4, v15;
	v40 =	vld.idx.msk [tilespmem:v30+s7+$0x0], $0xffff  }
0x1ca: {  	v42 =	vor.u32 s4, v16;
	v43 =	vld.idx.msk [tilespmem:v32+s7+$0x0], $0xffff  }
0x1cb: {  	v44 =	vld.idx.msk [tilespmem:v34+s7+$0x0], $0xffff  }
0x1cc: {  	v45 =	vld.idx.msk [tilespmem:v36+s7+$0x0], $0xffff  }
0x1cd: {  	v46 =	vld.idx.msk [tilespmem:v38+s7+$0x0], $0xffff  }
0x1ce: {  	v47 =	vld.idx.msk [tilespmem:v41+s7+$0x0], $0xffff  }
0x1cf: {  	s6 =	simm.s32 $0x4B80;
	v48 =	vld.idx.msk [tilespmem:v42+s7+$0x0], $0xffff  }
0x1d0: {  	s4 =	simm.s32 $0x0;
	v30 =	vld.idx.msk [tilespmem:v30+s6+$0x0], $0xffff  }
0x1d1: {  	v40 =	vld.idx.msk [tilespmem:v40+s4+$0x0], $0xffff  }
0x1d2: {  	v34 =	vld.idx.msk [tilespmem:v34+s6+$0x0], $0xffff  }
0x1d3: {  	v44 =	vld.idx.msk [tilespmem:v44+s4+$0x0], $0xffff  }
0x1d4: {  	v38 =	vld.idx.msk [tilespmem:v38+s6+$0x0], $0xffff  }
0x1d5: {  	v46 =	vld.idx.msk [tilespmem:v46+s4+$0x0], $0xffff  }
0x1d6: {  	v42 =	vld.idx.msk [tilespmem:v42+s6+$0x0], $0xffff;
	v30 =	vmul.f32 v40, v30  }
0x1d7: {  	v53 =	vld.idx.msk [tilespmem:v48+s4+$0x0], $0xffff  }
0x1d8: {  	v41 =	vld.idx.msk [tilespmem:v41+s6+$0x0], $0xffff;
	v34 =	vmul.f32 v44, v34;
	v30 =	vadd.f32 $0.0e+00, v30  }
0x1d9: {  	v54 =	vld.idx.msk [tilespmem:v47+s4+$0x0], $0xffff  }
0x1da: {  	v36 =	vld.idx.msk [tilespmem:v36+s6+$0x0], $0xffff;
	v55 =	vmul.f32 v46, v38;
	v30 =	vadd.f32 v34, v30  }
0x1db: {  	v56 =	vld.idx.msk [tilespmem:v45+s4+$0x0], $0xffff  }
0x1dc: {  	v32 =	vld.idx.msk [tilespmem:v32+s6+$0x0], $0xffff;
	v57 =	vmul.f32 v53, v42;
	v30 =	vadd.f32 v55, v30  }
0x1dd: {  	v58 =	vld.idx.msk [tilespmem:v43+s4+$0x0], $0xffff  }
0x1de: {  	v28 =	vld.idx.msk [tilespmem:v28+s6+$0x0], $0xffff;
	v59 =	vmul.f32 v54, v41;
	v30 =	vadd.f32 v57, v30  }
0x1df: {  	v39 =	vld.idx.msk [tilespmem:v39+s4+$0x0], $0xffff  }
0x1e0: {  	v26 =	vld.idx.msk [tilespmem:v26+s6+$0x0], $0xffff;
	v60 =	vmul.f32 v56, v36;
	v30 =	vadd.f32 v59, v30  }
0x1e1: {  	v61 =	vld.idx.msk [tilespmem:v37+s4+$0x0], $0xffff  }
0x1e2: {  	v24 =	vld.idx.msk [tilespmem:v24+s6+$0x0], $0xffff;
	v32 =	vmul.f32 v58, v32;
	v30 =	vadd.f32 v60, v30  }
0x1e3: {  	v62 =	vld.idx.msk [tilespmem:v35+s4+$0x0], $0xffff  }
0x1e4: {  	v22 =	vld.idx.msk [tilespmem:v22+s6+$0x0], $0xffff;
	v28 =	vmul.f32 v39, v28;
	v30 =	vadd.f32 v32, v30  }
0x1e5: {  	v63 =	vld.idx.msk [tilespmem:v33+s4+$0x0], $0xffff  }
0x1e6: {  	v21 =	vld.idx.msk [tilespmem:v21+s6+$0x0], $0xffff;
	v26 =	vmul.f32 v61, v26;
	v28 =	vadd.f32 v28, v30  }
0x1e7: {  	v30 =	vld.idx.msk [tilespmem:v31+s4+$0x0], $0xffff  }
0x1e8: {  	v20 =	vld.idx.msk [tilespmem:v20+s6+$0x0], $0xffff;
	v24 =	vmul.f32 v62, v24;
	v26 =	vadd.f32 v26, v28  }
0x1e9: {  	v28 =	vld.idx.msk [tilespmem:v29+s4+$0x0], $0xffff  }
0x1ea: {  	v19 =	vld.idx.msk [tilespmem:v19+s6+$0x0], $0xffff;
	v22 =	vmul.f32 v63, v22;
	v24 =	vadd.f32 v24, v26  }
0x1eb: {  	v26 =	vld.idx.msk [tilespmem:v27+s4+$0x0], $0xffff  }
0x1ec: {  	v18 =	vld.idx.msk [tilespmem:v18+s6+$0x0], $0xffff;
	v21 =	vmul.f32 v30, v21;
	v22 =	vadd.f32 v22, v24  }
0x1ed: {  	v24 =	vld.idx.msk [tilespmem:v25+s4+$0x0], $0xffff  }
0x1ee: {  	v17 =	vld.idx.msk [tilespmem:v17+s6+$0x0], $0xffff;
	v20 =	vmul.f32 v28, v20;
	v21 =	vadd.f32 v21, v22  }
0x1ef: {  	v22 =	vld.idx.msk [tilespmem:v23+s4+$0x0], $0xffff  }
0x1f0: {  	v19 =	vmul.f32 v26, v19;
	v20 =	vadd.f32 v20, v21;
	_ =	sdelay $0x1  }
0x1f1: {  	v18 =	vmul.f32 v24, v18;
	v19 =	vadd.f32 v19, v20;
	_ =	sdelay $0x1  }
0x1f2: {  	v17 =	vmul.f32 v22, v17;
	v18 =	vadd.f32 v18, v19;
	_ =	sdelay $0x1  }
0x1f3: {  	v17 =	vadd.f32 v17, v18;
	_ =	sdelay $0x1  }
0x1f4: {  	v17 =	vsub.f32 $0.0e+00, v17;
	_ =	sdelay $0x1  }
0x1f5: {  	v17 =	vmul.f32 $1.442695020e+00, v17;
	_ =	sdelay $0x1  }
0x1f6: {  	(erf) = vpow2.f32 v17;
	_ =	sdelay $0x8  }
0x1f7: {  	v17 =	vpop (erf)  }
0x1f8: {  	v17 =	vadd.f32 $1.000000000e+00, v17;
	_ =	sdelay $0x1  }
0x1f9: {  	(erf) = vrcp.f32 v17;
	_ =	sdelay $0x4  }
0x1fa: {  	s8 =	simm.s32 $0x2100  }
0x1fb: {  	v17 =	vor.u32 s8, v1  }
0x1fc: {  	v18 =	vor.u32 s8, v2  }
0x1fd: {  	v20 =	vor.u32 s8, v3  }
0x1fe: {  	v22 =	vor.u32 s8, v4;
	v19 =	vpop (erf)  }
0x1ff: {  	v24 =	vor.u32 s8, v5;
	[tilespmem:s5+$0x0] =	vst v19  }
0x200: {  	v26 =	vor.u32 s8, v6;
	v19 =	vld.idx.msk [tilespmem:v17+s7+$0x0], $0xffff  }
0x201: {  	v27 =	vor.u32 s8, v7;
	v21 =	vld.idx.msk [tilespmem:v18+s7+$0x0], $0xffff  }
0x202: {  	v28 =	vor.u32 s8, v8;
	v23 =	vld.idx.msk [tilespmem:v20+s7+$0x0], $0xffff  }
0x203: {  	s9 =	simm.s32 $0x2200;
	v29 =	vor.u32 s8, v9;
	v30 =	vor.u32 s8, v0;
	v25 =	vld.idx.msk [tilespmem:v22+s7+$0x0], $0xffff  }
.LBB2_7:
0x204: {  	p0 =	sne.s32 s9, $0x2300;
	v30 =	vand.u32 v10, v30;
	v31 =	vld.idx.msk [tilespmem:v24+s7+$0x0], $0xffff  }
0x205: {  	v32 =	vor.u32 s8, v11;
	v33 =	vld.idx.msk [tilespmem:v26+s7+$0x0], $0xffff  }
0x206: {  	v34 =	vor.u32 s8, v12;
	v35 =	vld.idx.msk [tilespmem:v27+s7+$0x0], $0xffff  }
0x207: {  	v36 =	vor.u32 s8, v13;
	v37 =	vld.idx.msk [tilespmem:v28+s7+$0x0], $0xffff  }
0x208: {  	v38 =	vor.u32 s8, v14;
	v39 =	vld.idx.msk [tilespmem:v29+s7+$0x0], $0xffff  }
0x209: {  	v41 =	vor.u32 s8, v15;
	v40 =	vld.idx.msk [tilespmem:v30+s7+$0x0], $0xffff  }
0x20a: {  	v42 =	vor.u32 s8, v16;
	s8 =	smov.u32 s9;
	v43 =	vld.idx.msk [tilespmem:v32+s7+$0x0], $0xffff  }
0x20b: {  	v44 =	vld.idx.msk [tilespmem:v34+s7+$0x0], $0xffff  }
0x20c: {  	v45 =	vld.idx.msk [tilespmem:v36+s7+$0x0], $0xffff  }
0x20d: {  	v46 =	vld.idx.msk [tilespmem:v38+s7+$0x0], $0xffff  }
0x20e: {  	v47 =	vld.idx.msk [tilespmem:v41+s7+$0x0], $0xffff  }
0x20f: {  	v48 =	vld.idx.msk [tilespmem:v42+s7+$0x0], $0xffff  }
0x210: {  	v30 =	vld.idx.msk [tilespmem:v30+s6+$0x0], $0xffff  }
0x211: {  	v40 =	vld.idx.msk [tilespmem:v40+s4+$0x0], $0xffff  }
0x212: {  	v34 =	vld.idx.msk [tilespmem:v34+s6+$0x0], $0xffff  }
0x213: {  	v44 =	vld.idx.msk [tilespmem:v44+s4+$0x0], $0xffff  }
0x214: {  	v38 =	vld.idx.msk [tilespmem:v38+s6+$0x0], $0xffff  }
0x215: {  	v46 =	vld.idx.msk [tilespmem:v46+s4+$0x0], $0xffff  }
0x216: {  	v42 =	vld.idx.msk [tilespmem:v42+s6+$0x0], $0xffff  }
0x217: {  	v30 =	vmul.f32 v40, v30;
	v40 =	vld.idx.msk [tilespmem:v48+s4+$0x0], $0xffff  }
0x218: {  	v41 =	vld.idx.msk [tilespmem:v41+s6+$0x0], $0xffff  }
0x219: {  	v30 =	vadd.f32 $0.0e+00, v30;
	v34 =	vmul.f32 v44, v34;
	v44 =	vld.idx.msk [tilespmem:v47+s4+$0x0], $0xffff  }
0x21a: {  	v36 =	vld.idx.msk [tilespmem:v36+s6+$0x0], $0xffff  }
0x21b: {  	v30 =	vadd.f32 v34, v30;
	v34 =	vmul.f32 v46, v38;
	v38 =	vld.idx.msk [tilespmem:v45+s4+$0x0], $0xffff  }
0x21c: {  	v32 =	vld.idx.msk [tilespmem:v32+s6+$0x0], $0xffff  }
0x21d: {  	v30 =	vadd.f32 v34, v30;
	v34 =	vmul.f32 v40, v42;
	v40 =	vld.idx.msk [tilespmem:v43+s4+$0x0], $0xffff  }
0x21e: {  	v29 =	vld.idx.msk [tilespmem:v29+s6+$0x0], $0xffff  }
0x21f: {  	v30 =	vadd.f32 v34, v30;
	v34 =	vmul.f32 v44, v41;
	v39 =	vld.idx.msk [tilespmem:v39+s4+$0x0], $0xffff  }
0x220: {  	v28 =	vld.idx.msk [tilespmem:v28+s6+$0x0], $0xffff  }
0x221: {  	v30 =	vadd.f32 v34, v30;
	v34 =	vmul.f32 v38, v36;
	v36 =	vld.idx.msk [tilespmem:v37+s4+$0x0], $0xffff  }
0x222: {  	v27 =	vld.idx.msk [tilespmem:v27+s6+$0x0], $0xffff  }
0x223: {  	v30 =	vadd.f32 v34, v30;
	v32 =	vmul.f32 v40, v32;
	v34 =	vld.idx.msk [tilespmem:v35+s4+$0x0], $0xffff  }
0x224: {  	v26 =	vld.idx.msk [tilespmem:v26+s6+$0x0], $0xffff  }
0x225: {  	v30 =	vadd.f32 v32, v30;
	v29 =	vmul.f32 v39, v29;
	v32 =	vld.idx.msk [tilespmem:v33+s4+$0x0], $0xffff  }
0x226: {  	v24 =	vld.idx.msk [tilespmem:v24+s6+$0x0], $0xffff  }
0x227: {  	v29 =	vadd.f32 v29, v30;
	v28 =	vmul.f32 v36, v28;
	v30 =	vld.idx.msk [tilespmem:v31+s4+$0x0], $0xffff  }
0x228: {  	v22 =	vld.idx.msk [tilespmem:v22+s6+$0x0], $0xffff  }
0x229: {  	v28 =	vadd.f32 v28, v29;
	v27 =	vmul.f32 v34, v27;
	v25 =	vld.idx.msk [tilespmem:v25+s4+$0x0], $0xffff  }
0x22a: {  	v20 =	vld.idx.msk [tilespmem:v20+s6+$0x0], $0xffff  }
0x22b: {  	v27 =	vadd.f32 v27, v28;
	v26 =	vmul.f32 v32, v26;
	v23 =	vld.idx.msk [tilespmem:v23+s4+$0x0], $0xffff  }
0x22c: {  	v18 =	vld.idx.msk [tilespmem:v18+s6+$0x0], $0xffff  }
0x22d: {  	v26 =	vadd.f32 v26, v27;
	v24 =	vmul.f32 v30, v24;
	v21 =	vld.idx.msk [tilespmem:v21+s4+$0x0], $0xffff  }
0x22e: {  	v17 =	vld.idx.msk [tilespmem:v17+s6+$0x0], $0xffff  }
0x22f: {  	v24 =	vadd.f32 v24, v26;
	v22 =	vmul.f32 v25, v22;
	v19 =	vld.idx.msk [tilespmem:v19+s4+$0x0], $0xffff;
	_ =	sdelay $0x1  }
0x230: {  	v22 =	vadd.f32 v22, v24;
	v20 =	vmul.f32 v23, v20;
	_ =	sdelay $0x1  }
0x231: {  	v20 =	vadd.f32 v20, v22;
	v18 =	vmul.f32 v21, v18;
	_ =	sdelay $0x1  }
0x232: {  	v18 =	vadd.f32 v18, v20;
	v17 =	vmul.f32 v19, v17;
	_ =	sdelay $0x1  }
0x233: {  	v17 =	vadd.f32 v17, v18;
	_ =	sdelay $0x1  }
0x234: {  	v17 =	vsub.f32 $0.0e+00, v17;
	_ =	sdelay $0x1  }
0x235: {  	v17 =	vmul.f32 $1.442695020e+00, v17;
	_ =	sdelay $0x1  }
0x236: {  	(erf) = vpow2.f32 v17;
	_ =	sdelay $0x8  }
0x237: {  	v17 =	vpop (erf)  }
0x238: {  	v17 =	vadd.f32 $1.000000000e+00, v17;
	_ =	sdelay $0x1  }
0x239: {  	(erf) = vrcp.f32 v17;
	_ =	sdelay $0x5  }
0x23a: {  	v17 =	vor.u32 s9, v1  }
0x23b: {  	v18 =	vor.u32 s9, v2  }
0x23c: {  	v20 =	vor.u32 s9, v3  }
0x23d: {  	s5 =	sadd.s32 $0x10, s5;
	v22 =	vor.u32 s9, v4;
	v19 =	vpop (erf)  }
.Ltmp3:
0x23e: {  	v24 =	vor.u32 s9, v5;
	[tilespmem:s5+$0x0] =	vst v19;
	(pc) =	sbr.rel @p0 .LBB2_7-.Ltmp3, $4  }
0x23f: {  	v26 =	vor.u32 s9, v6;
	v19 =	vld.idx.msk [tilespmem:v17+s7+$0x0], $0xffff  }
0x240: {  	v27 =	vor.u32 s9, v7;
	v21 =	vld.idx.msk [tilespmem:v18+s7+$0x0], $0xffff  }
0x241: {  	v28 =	vor.u32 s9, v8;
	v23 =	vld.idx.msk [tilespmem:v20+s7+$0x0], $0xffff  }
0x242: {  	v29 =	vor.u32 s8, v9;
	v30 =	vor.u32 s8, v0;
	s9 =	sadd.s32 $0x100, s9;
	v25 =	vld.idx.msk [tilespmem:v22+s7+$0x0], $0xffff  }
0x243: {  	_ =	sdelay $0x3  }
0x244: {  	v0 =	vand.u32 v10, v30;
	v1 =	vld.idx.msk [tilespmem:v24+s7+$0x0], $0xffff  }
0x245: {  	v2 =	vor.u32 s8, v11;
	v3 =	vld.idx.msk [tilespmem:v26+s7+$0x0], $0xffff  }
0x246: {  	v4 =	vor.u32 s8, v12;
	v5 =	vld.idx.msk [tilespmem:v27+s7+$0x0], $0xffff  }
0x247: {  	v6 =	vor.u32 s8, v13;
	v7 =	vld.idx.msk [tilespmem:v28+s7+$0x0], $0xffff  }
0x248: {  	v8 =	vor.u32 s8, v14;
	v9 =	vld.idx.msk [tilespmem:v29+s7+$0x0], $0xffff  }
0x249: {  	v57 =	vor.u32 s8, v15;
	v10 =	vld.idx.msk [tilespmem:v0+s7+$0x0], $0xffff  }
0x24a: {  	v58 =	vor.u32 s8, v16;
	v59 =	vld.idx.msk [tilespmem:v2+s7+$0x0], $0xffff  }
0x24b: {  	v60 =	vld.idx.msk [tilespmem:v4+s7+$0x0], $0xffff  }
0x24c: {  	v61 =	vld.idx.msk [tilespmem:v6+s7+$0x0], $0xffff  }
0x24d: {  	v62 =	vld.idx.msk [tilespmem:v8+s7+$0x0], $0xffff  }
0x24e: {  	v63 =	vld.idx.msk [tilespmem:v57+s7+$0x0], $0xffff  }
0x24f: {  	v31 =	vld.idx.msk [tilespmem:v58+s7+$0x0], $0xffff  }
0x250: {  	v0 =	vld.idx.msk [tilespmem:v0+s6+$0x0], $0xffff  }
0x251: {  	v10 =	vld.idx.msk [tilespmem:v10+s4+$0x0], $0xffff  }
0x252: {  	v4 =	vld.idx.msk [tilespmem:v4+s6+$0x0], $0xffff  }
0x253: {  	v14 =	vld.idx.msk [tilespmem:v60+s4+$0x0], $0xffff  }
0x254: {  	v8 =	vld.idx.msk [tilespmem:v8+s6+$0x0], $0xffff  }
0x255: {  	v16 =	vld.idx.msk [tilespmem:v62+s4+$0x0], $0xffff  }
0x256: {  	v12 =	vld.idx.msk [tilespmem:v58+s6+$0x0], $0xffff;
	v0 =	vmul.f32 v10, v0  }
0x257: {  	v33 =	vld.idx.msk [tilespmem:v31+s4+$0x0], $0xffff  }
0x258: {  	v11 =	vld.idx.msk [tilespmem:v57+s6+$0x0], $0xffff;
	v4 =	vmul.f32 v14, v4;
	v0 =	vadd.f32 $0.0e+00, v0  }
0x259: {  	v34 =	vld.idx.msk [tilespmem:v63+s4+$0x0], $0xffff  }
0x25a: {  	v6 =	vld.idx.msk [tilespmem:v6+s6+$0x0], $0xffff;
	v35 =	vmul.f32 v16, v8;
	v0 =	vadd.f32 v4, v0  }
0x25b: {  	v36 =	vld.idx.msk [tilespmem:v61+s4+$0x0], $0xffff  }
0x25c: {  	v2 =	vld.idx.msk [tilespmem:v2+s6+$0x0], $0xffff;
	v37 =	vmul.f32 v33, v12;
	v0 =	vadd.f32 v35, v0  }
0x25d: {  	v38 =	vld.idx.msk [tilespmem:v59+s4+$0x0], $0xffff  }
0x25e: {  	v39 =	vld.idx.msk [tilespmem:v29+s6+$0x0], $0xffff;
	v40 =	vmul.f32 v34, v11;
	v0 =	vadd.f32 v37, v0  }
0x25f: {  	v9 =	vld.idx.msk [tilespmem:v9+s4+$0x0], $0xffff  }
0x260: {  	v41 =	vld.idx.msk [tilespmem:v28+s6+$0x0], $0xffff;
	v42 =	vmul.f32 v36, v6;
	v0 =	vadd.f32 v40, v0  }
0x261: {  	v43 =	vld.idx.msk [tilespmem:v7+s4+$0x0], $0xffff  }
0x262: {  	v44 =	vld.idx.msk [tilespmem:v27+s6+$0x0], $0xffff;
	v2 =	vmul.f32 v38, v2;
	v0 =	vadd.f32 v42, v0  }
0x263: {  	v45 =	vld.idx.msk [tilespmem:v5+s4+$0x0], $0xffff  }
0x264: {  	v46 =	vld.idx.msk [tilespmem:v26+s6+$0x0], $0xffff;
	v47 =	vmul.f32 v9, v39;
	v0 =	vadd.f32 v2, v0  }
0x265: {  	v3 =	vld.idx.msk [tilespmem:v3+s4+$0x0], $0xffff  }
0x266: {  	v48 =	vld.idx.msk [tilespmem:v24+s6+$0x0], $0xffff;
	v49 =	vmul.f32 v43, v41;
	v0 =	vadd.f32 v47, v0  }
0x267: {  	v1 =	vld.idx.msk [tilespmem:v1+s4+$0x0], $0xffff  }
0x268: {  	v50 =	vld.idx.msk [tilespmem:v22+s6+$0x0], $0xffff;
	v51 =	vmul.f32 v45, v44;
	v0 =	vadd.f32 v49, v0  }
0x269: {  	v52 =	vld.idx.msk [tilespmem:v25+s4+$0x0], $0xffff  }
0x26a: {  	v53 =	vld.idx.msk [tilespmem:v20+s6+$0x0], $0xffff;
	v54 =	vmul.f32 v3, v46;
	v0 =	vadd.f32 v51, v0  }
0x26b: {  	v55 =	vld.idx.msk [tilespmem:v23+s4+$0x0], $0xffff  }
0x26c: {  	v56 =	vld.idx.msk [tilespmem:v18+s6+$0x0], $0xffff;
	v1 =	vmul.f32 v1, v48;
	v0 =	vadd.f32 v54, v0  }
0x26d: {  	v57 =	vld.idx.msk [tilespmem:v21+s4+$0x0], $0xffff  }
0x26e: {  	v58 =	vld.idx.msk [tilespmem:v17+s6+$0x0], $0xffff;
	v59 =	vmul.f32 v52, v50;
	v0 =	vadd.f32 v1, v0  }
0x26f: {  	v60 =	vld.idx.msk [tilespmem:v19+s4+$0x0], $0xffff  }
0x270: {  	v61 =	vmul.f32 v55, v53;
	v0 =	vadd.f32 v59, v0;
	_ =	sdelay $0x1  }
0x271: {  	v62 =	vmul.f32 v57, v56;
	v0 =	vadd.f32 v61, v0;
	_ =	sdelay $0x1  }
0x272: {  	v63 =	vmul.f32 v60, v58;
	v0 =	vadd.f32 v62, v0;
	_ =	sdelay $0x1  }
0x273: {  	v0 =	vadd.f32 v63, v0;
	_ =	sdelay $0x1  }
0x274: {  	v0 =	vsub.f32 $0.0e+00, v0;
	_ =	sdelay $0x1  }
0x275: {  	v0 =	vmul.f32 $1.442695020e+00, v0;
	_ =	sdelay $0x1  }
0x276: {  	(erf) = vpow2.f32 v0;
	_ =	sdelay $0x8  }
0x277: {  	v0 =	vpop (erf)  }
0x278: {  	v0 =	vadd.f32 $1.000000000e+00, v0;
	_ =	sdelay $0x1  }
0x279: {  	(erf) = vrcp.f32 v0;
	_ =	sdelay $0x8  }
0x27a: {  	s28 =	sadd.s32 $0x10, s5;
	s3 =	sshrl.u32 s3, $0x3;
	s29 =	simm.s32 $0x0;
	v0 =	vpop (erf)  }
0x27b: {  	s30 =	simm.s32 $0x6F80;
	s31 =	simm.s32 $0x3;
	s2 =	sadd.s32 s2, s3;
	[tilespmem:s28+$0x0] =	vst v0  }
0x27c: {  	[hbm4b:s2+s29] =	stream.linear.scatter [tilespmem:s30], [sflag:$0x3], $0x40, $0x38;
	[tilespmem:$0x7080] =	vst v63  }
0x27d: {  	_ =	swait.ge [sflag:s31], $0x40  }
0x27e: {  	[sflag:s31] =	ssyncset.done $0x0  }
0x27f: {  	[sflag:s31] =	ssyncadd.s32 $0xFFFFFFC0  }
0x280: {  	_ =	sfence.sel $0x180000  }
0x281: {  	[bflag:$0x0] =	sbarrier.arrive $0xFFFF  }
0x282: {  	p0 =	sne.s32 s0, $0x0;
	_ =	strace $0x90000047  }
0x283: {  	s0 =	sadd.s32 @!p0 $0x100000, s1;
	[bflag:$0x2] =	sbarrier.arrive $0xFFFF  }
0x284: {  	[sflag:s0] =	ssyncadd.tile.s32 @!p0 $0x1;
	_ =	shalt  }
.Lfunc_end2:
_tile_overlayer_lowered:
.L_overlay_start_2:
0x285: {  	(tag) =	ssettag $0x2  }
0x286: {  	s0 =	rddreg [dreg:$0x0];
	s2 =	stileid.u32  }
0x287: {  	s1 =	rddreg [dreg:$0x1];
	p0 =	sne.s32 s2, $0x0  }
0x288: {  	s3 =	rddreg [dreg:$0x2];
	[bflag:$0x3] =	sbarrier.arrive $0xFFFF;
	s2 =	simm.s32 @!p0 $0x1C03  }
0x289: {  	[timem:s3], [sflag:s2] =	dma.local @!p0 [hbm:s0], s1  }
0x28a: {  	s0 =	simm.s32 @!p0 $0x3  }
0x28b: {  	_ =	swait.ge @!p0 [sflag:s0], s1  }
0x28c: {  	s1 =	ssub.s32 @!p0 $0x0, s1;
	[sflag:s0] =	ssyncset.done @!p0 $0x0  }
0x28d: {  	[sflag:s0] =	ssyncadd.s32 @!p0 s1  }
0x28e: {  	[bflag:$0x3] =	sbarrier.arrive $0xFFFF  }
0x28f: {  	_ =	shalt  }

</sc_bundles>
